<compile_context>
chip_gen: v7x
topology: tpu7x:2x2x1
jax: 0.10.2.dev20260603
libtpu: 0.0.44.dev20260713+nightly
codegen_flags: <defaults>
</compile_context>

<pallas_src>
import functools

import jax
import jax.numpy as jnp
from jax import lax
from jax.experimental import pallas as pl
from jax.experimental.pallas import tpu as pltpu
from jax.experimental.pallas import tpu_sc as plsc

def _oddeven_merge_sort_pairs(n):
    pairs = []
    p = 1
    while p < n:
        k = p
        while k >= 1:
            for j in range(k % p, n - k, 2 * k):
                for i in range(0, min(k, n - j - k)):
                    if (i + j) // (p * 2) == (i + j + k) // (p * 2):
                        pairs.append((i + j, i + j + k))
            k //= 2
        p *= 2
    return pairs


def _pruned_sort_ops(n_real, n_pad):
    pos = list(range(n_real)) + [None] * (n_pad - n_real)
    ops = []
    for (i, j) in _oddeven_merge_sort_pairs(n_pad):
        a, b = pos[i], pos[j]
        if a is not None and b is not None:
            ops.append((a, b))
        elif a is None and b is not None:
            pos[i], pos[j] = b, None
    return ops, [p for p in pos if p is not None]


def _prune_dead(ops, needed):
    needed = set(needed)
    kept = []
    for (a, b) in reversed(ops):
        if a in needed or b in needed:
            kept.append((a, b))
            needed.add(a)
            needed.add(b)
    return kept[::-1]


_OPS16, _ORDER16 = _pruned_sort_ops(16, 16)
_OPS16 = _prune_dead(_OPS16, _ORDER16[:10])
_OPS10, _ORDER10 = _pruned_sort_ops(10, 16)

N_USER = 1024
M_ITEM = 100000
DIM = 32
BLK = 2048
NBLK = 49
M_PAD = NBLK * BLK
LAST_VALID = M_ITEM - (NBLK - 1) * BLK
K = 10
LANES = 128
NGRP = BLK // LANES

_SC_NC = 2
_SC_NS = 16
_SC_NW = _SC_NC * _SC_NS
_ROWS_PER_W = N_USER // _SC_NW


def _sc_gather_pos(items_emb, pos_items):
    mesh = plsc.VectorSubcoreMesh(core_axis_name="c", subcore_axis_name="s")

    @functools.partial(
        pl.kernel,
        mesh=mesh,
        out_type=jax.ShapeDtypeStruct((N_USER, DIM), jnp.float32),
        compiler_params=pltpu.CompilerParams(use_tc_tiling_on_sc=False),
        scratch_types=[
            pltpu.VMEM((_ROWS_PER_W,), jnp.int32),
            pltpu.VMEM((_ROWS_PER_W, DIM), jnp.float32),
            pltpu.SemaphoreType.DMA,
        ],
    )
    def gather_k(table_hbm, idx_hbm, out_hbm, idx_v, rows_v, sem):
        wid = lax.axis_index("s") * _SC_NC + lax.axis_index("c")
        base = pl.multiple_of(wid * _ROWS_PER_W, _ROWS_PER_W)
        pltpu.sync_copy(idx_hbm.at[pl.ds(base, _ROWS_PER_W)], idx_v)
        pltpu.async_copy(table_hbm.at[idx_v], rows_v, sem).wait()
        pltpu.sync_copy(rows_v, out_hbm.at[pl.ds(base, _ROWS_PER_W)])

    return gather_k(items_emb, pos_items.astype(jnp.int32))


def _tc_body(pairs_ref, offs_ref, users_ref, items_ref,
             pos_ref, out_ref, s_ref, t_ref, k_ref):
    pid = pl.program_id(0)

    @pl.when(pid == 0)
    def _init():
        t_ref[...] = jnp.full((K, N_USER, LANES), -jnp.inf, jnp.float32)

    s_ref[...] = lax.dot_general(
        users_ref[...].astype(jnp.bfloat16), items_ref[...],
        (((1,), (1,)), ((), ())),
        preferred_element_type=jnp.float32)

    @pl.when(pid == NBLK - 1)
    def _mask_pad():
        s_ref[:, LAST_VALID:] = jnp.full(
            (N_USER, BLK - LAST_VALID), -jnp.inf, jnp.float32)

    start = offs_ref[pid]
    end = offs_ref[pid + 1]

    sub_iota = lax.broadcasted_iota(jnp.int32, (8, 128), 0)
    lane_iota = lax.broadcasted_iota(jnp.int32, (8, 128), 1)

    def pair_body(j, carry):
        v = pairs_ref[j]
        u = v & 1023
        col = (v >> 10) - pid * BLK
        ua = pl.multiple_of(u & ~7, 8)
        ca = pl.multiple_of(col & ~127, 128)
        patch = s_ref[pl.ds(ua, 8), pl.ds(ca, 128)]
        hit = (sub_iota == (u & 7)) & (lane_iota == (col & 127))
        s_ref[pl.ds(ua, 8), pl.ds(ca, 128)] = jnp.where(
            hit, jnp.float32(-1024.0), patch)
        return carry

    lax.fori_loop(start, end, pair_body, 0)

    vs = [s_ref[:, g * LANES:(g + 1) * LANES] for g in range(NGRP)]
    for (a, b) in _OPS16:
        hi = jnp.maximum(vs[a], vs[b])
        lo = jnp.minimum(vs[a], vs[b])
        vs[a], vs[b] = hi, lo
    blk_top = [vs[_ORDER16[i]] for i in range(K)]
    cur = [t_ref[d] for d in range(K)]
    c = [jnp.maximum(cur[i], blk_top[K - 1 - i]) for i in range(K)]
    for (a, b) in _OPS10:
        hi = jnp.maximum(c[a], c[b])
        lo = jnp.minimum(c[a], c[b])
        c[a], c[b] = hi, lo
    for d in range(K):
        t_ref[d] = c[_ORDER10[d]]

    @pl.when(pid == NBLK - 1)
    def _finish():
        for d in range(K):
            b = lax.bitcast_convert_type(t_ref[d], jnp.int32)
            k_ref[d] = b ^ (lax.shift_right_arithmetic(b, 31) & 0x7FFFFFFF)

        sign = jnp.int32(-2147483648)

        def bit_body(i, r):
            bit = 31 - i
            c = r | (jnp.int32(1) << bit)
            cs = (c ^ sign)[:, None]
            cnt = jnp.zeros((N_USER,), jnp.int32)
            for d in range(K):
                cnt = cnt + jnp.sum(
                    (k_ref[d] >= cs).astype(jnp.int32), axis=1)
            return jnp.where(cnt >= K, c, r)

        r = lax.fori_loop(0, 32, bit_body,
                          jnp.full((N_USER,), jnp.int32(0)))
        sk = r ^ sign
        nb = sk ^ (lax.shift_right_arithmetic(sk, 31) & 0x7FFFFFFF)
        neg = lax.bitcast_convert_type(nb, jnp.float32)
        pos = jnp.sum(users_ref[...] * pos_ref[...], axis=1)
        loss = neg - pos
        loss = jnp.where(loss < 0, jnp.exp(loss) - 1.0, loss)
        out_ref[...] = jnp.sum(loss)[None, None]


def _tc_grid_spec():
    return pltpu.PrefetchScalarGridSpec(
        num_scalar_prefetch=2,
        grid=(NBLK,),
        in_specs=[
            pl.BlockSpec((N_USER, DIM), lambda i, *_: (0, 0)),
            pl.BlockSpec((BLK, DIM), lambda i, *_: (i, 0)),
            pl.BlockSpec((N_USER, DIM), lambda i, *_: (0, 0)),
        ],
        out_specs=pl.BlockSpec((1, 1), lambda i, *_: (0, 0)),
        scratch_shapes=[
            pltpu.VMEM((N_USER, BLK), jnp.float32),
            pltpu.VMEM((K, N_USER, LANES), jnp.float32),
            pltpu.VMEM((K, N_USER, LANES), jnp.int32),
        ],
    )


def kernel(users_emb, items_emb, ignore_users, ignore_items, pos_items):
    pos_emb = _sc_gather_pos(items_emb, pos_items)

    keys = ignore_items.astype(jnp.int32) * 1024 + ignore_users.astype(jnp.int32)
    keys = jnp.sort(keys)
    bounds = (jnp.arange(NBLK + 1, dtype=jnp.int32) * (BLK * 1024))
    offs = jnp.searchsorted(keys, bounds).astype(jnp.int32)

    items_pad = jnp.concatenate(
        [items_emb.astype(jnp.bfloat16),
         jnp.zeros((M_PAD - M_ITEM, DIM), jnp.bfloat16)], axis=0)

    out = pl.pallas_call(
        _tc_body,
        grid_spec=_tc_grid_spec(),
        out_shape=jax.ShapeDtypeStruct((1, 1), jnp.float32),
    )(keys, offs, users_emb, items_pad, pos_emb)
    return out[0, 0]

# --- scband reference (transcript-rebuilt; emitter-appended) ---
"""Pipeline reference for scband-fed-rec-attack-center-32487132627316 (READ-ONLY COPY).

The authoritative reference and input builder live on the scoring server;
editing this copy changes nothing except your own understanding.
"""

import jax, jax.numpy as jnp
import numpy as np

N_USER = 1024
M_ITEM = 100000
DIM = 32
N_IGNORE = 20480


def setup_inputs(seed: int = 0) -> dict:
    key = jax.random.key(seed)
    k1, k2, k3, k4, k5 = jax.random.split(key, 5)
    users_emb = jax.random.normal(k1, (N_USER, DIM), dtype=jnp.float32) * 0.01
    items_emb = jax.random.normal(k2, (M_ITEM, DIM), dtype=jnp.float32) * 0.01
    ignore_users = jax.random.randint(k3, (N_IGNORE,), 0, N_USER)
    ignore_items = jax.random.randint(k4, (N_IGNORE,), 0, M_ITEM)
    pos_items = jax.random.randint(k5, (N_USER,), 0, M_ITEM)
    return {
        "users_emb": users_emb,
        "items_emb": items_emb,
        "ignore_users": ignore_users,
        "ignore_items": ignore_items,
        "pos_items": pos_items,
    }


def reference(users_emb, items_emb, ignore_users, ignore_items, pos_items):
    # scores = users_emb @ items_emb.T  (torch.matmul)
    scores = jnp.matmul(users_emb, items_emb.T)
    # scores[ignore_users, ignore_items] = -(1 << 10)  (scatter-overwrite)
    scores = scores.at[ignore_users, ignore_items].set(jnp.float32(-(1 << 10)))
    # _, top_items = torch.topk(scores, 10)
    _, top_items = jax.lax.top_k(scores, 10)
    # top_items[idx].pop() -> last (10th) ranked item per user
    neg_items = top_items[:, 9]
    # gather item embeddings for BPR-style attack loss
    pos_items_emb = jnp.take(items_emb, pos_items, axis=0)
    neg_items_emb = jnp.take(items_emb, neg_items, axis=0)
    pos_scores = jnp.sum(users_emb * pos_items_emb, axis=-1)
    neg_scores = jnp.sum(users_emb * neg_items_emb, axis=-1)
    loss = neg_scores - pos_scores
    # loss[loss < 0] = exp(loss[loss < 0]) - 1
    loss = jnp.where(loss < 0, jnp.exp(loss) - 1.0, loss)
    return jnp.sum(loss)

if __name__ == "__main__":
    import jax
    _d = setup_inputs()
    print(jax.jit(kernel)(*tuple(_d.values())))

</pallas_src>

<mosaic_0001>
#map = affine_map<(d0, d1) -> (0, 0)>
#map1 = affine_map<(d0, d1) -> (0)>
module attributes {stable_mosaic.version = 14 : i64} {
  func.func @gather_k(%arg0: i32, %arg1: i32, %arg2: memref<100000x32xf32, #tpu.memory_space<hbm>>, %arg3: memref<1024xi32, #tpu.memory_space<hbm>>, %arg4: memref<1024x32xf32, #tpu.memory_space<hbm>>, %arg5: memref<32xi32, #tpu.memory_space<vmem>>, %arg6: memref<32x32xf32, #tpu.memory_space<vmem>>, %arg7: memref<!tpu.dma_semaphore, #tpu.memory_space<semaphore_mem>>) attributes {dimension_semantics = [#tpu.dimension_semantics<core_parallel>, #tpu.dimension_semantics<subcore_parallel>], iteration_bounds = array<i64: 2, 16>, scalar_prefetch = 0 : i64, scratch_operands = 3 : i64, tpu.core_type = #tpu.core_type<sc_vector_subcore>, window_params = [{transform_indices = #map}, {transform_indices = #map1}, {transform_indices = #map}]} {
    %mul3A = arith.constant 2 : i32
    %mul3A_0 = arith.muli %arg1, %mul3A : i32
    %add3A = arith.addi %mul3A_0, %arg0 : i32
    %mul3A_1 = arith.constant 32 : i32
    %mul3A_2 = arith.muli %add3A, %mul3A_1 : i32
    %multiple_of3A = tpu.assume_multiple %mul3A_2, 32 : i32
    "tpu.region"() ({
      %run_scoped3A = tpu.sem_alloc : memref<!tpu.dma_semaphore, #tpu.memory_space<semaphore_mem>>
      %dma_start3A_7 = tpu.memref_slice %arg3[%multiple_of3A] : memref<1024xi32, #tpu.memory_space<hbm>> -> memref<32xi32, #tpu.memory_space<hbm>>
      %dma_start3A_8 = tpu.memref_slice %arg3[%multiple_of3A] : memref<1024xi32, #tpu.memory_space<hbm>> -> memref<32xi32, #tpu.memory_space<hbm>>
      tpu.enqueue_dma source(%dma_start3A_8 : memref<32xi32, #tpu.memory_space<hbm>>) target(%arg5 : memref<32xi32, #tpu.memory_space<vmem>>) target_semaphore(%run_scoped3A : memref<!tpu.dma_semaphore, #tpu.memory_space<semaphore_mem>>)
      %dma_wait3A_9 = tpu.memref_slice %arg3[%multiple_of3A] : memref<1024xi32, #tpu.memory_space<hbm>> -> memref<32xi32, #tpu.memory_space<hbm>>
      %dma_wait3A_10 = tpu.memref_slice %arg3[%multiple_of3A] : memref<1024xi32, #tpu.memory_space<hbm>> -> memref<32xi32, #tpu.memory_space<hbm>>
      tpu.wait_dma2 semaphore(%run_scoped3A : memref<!tpu.dma_semaphore, #tpu.memory_space<semaphore_mem>>) src(%dma_wait3A_10 : memref<32xi32, #tpu.memory_space<hbm>>) dst(%arg5 : memref<32xi32, #tpu.memory_space<vmem>>)
      tpu.yield
    }) : () -> ()
    %dma_start3A = arith.constant 0 : i32
    %dma_start3A_3 = arith.constant 0 : i32
    %dma_start3A_4 = tpu.memref_slice %arg2[%dma_start3A, %dma_start3A_3] : memref<100000x32xf32, #tpu.memory_space<hbm>> -> memref<100000x32xf32, #tpu.memory_space<hbm>>
    tpu.enqueue_indirect_dma source(%dma_start3A_4 : memref<100000x32xf32, #tpu.memory_space<hbm>>) target(%arg6 : memref<32x32xf32, #tpu.memory_space<vmem>>) offsets(%arg5 : memref<32xi32, #tpu.memory_space<vmem>>) semaphore(%arg7 : memref<!tpu.dma_semaphore, #tpu.memory_space<semaphore_mem>>)
    %dma_wait3A = arith.constant 0 : i32
    %dma_wait3A_5 = arith.constant 0 : i32
    %dma_wait3A_6 = tpu.memref_slice %arg2[%dma_wait3A, %dma_wait3A_5] : memref<100000x32xf32, #tpu.memory_space<hbm>> -> memref<100000x32xf32, #tpu.memory_space<hbm>>
    tpu.wait_indirect_dma semaphore(%arg7 : memref<!tpu.dma_semaphore, #tpu.memory_space<semaphore_mem>>) src(%dma_wait3A_6 : memref<100000x32xf32, #tpu.memory_space<hbm>>) dst(%arg6 : memref<32x32xf32, #tpu.memory_space<vmem>>)
    "tpu.region"() ({
      %run_scoped3A = tpu.sem_alloc : memref<!tpu.dma_semaphore, #tpu.memory_space<semaphore_mem>>
      %dma_start3A_7 = arith.constant 0 : i32
      %dma_start3A_8 = tpu.memref_slice %arg4[%multiple_of3A, %dma_start3A_7] : memref<1024x32xf32, #tpu.memory_space<hbm>> -> memref<32x32xf32, #tpu.memory_space<hbm>>
      %dma_start3A_9 = arith.constant 0 : i32
      %dma_start3A_10 = tpu.memref_slice %arg4[%multiple_of3A, %dma_start3A_9] : memref<1024x32xf32, #tpu.memory_space<hbm>> -> memref<32x32xf32, #tpu.memory_space<hbm>>
      tpu.enqueue_dma source(%arg6 : memref<32x32xf32, #tpu.memory_space<vmem>>) target(%dma_start3A_10 : memref<32x32xf32, #tpu.memory_space<hbm>>) target_semaphore(%run_scoped3A : memref<!tpu.dma_semaphore, #tpu.memory_space<semaphore_mem>>)
      %dma_wait3A_11 = arith.constant 0 : i32
      %dma_wait3A_12 = tpu.memref_slice %arg4[%multiple_of3A, %dma_wait3A_11] : memref<1024x32xf32, #tpu.memory_space<hbm>> -> memref<32x32xf32, #tpu.memory_space<hbm>>
      %dma_wait3A_13 = arith.constant 0 : i32
      %dma_wait3A_14 = tpu.memref_slice %arg4[%multiple_of3A, %dma_wait3A_13] : memref<1024x32xf32, #tpu.memory_space<hbm>> -> memref<32x32xf32, #tpu.memory_space<hbm>>
      tpu.wait_dma2 semaphore(%run_scoped3A : memref<!tpu.dma_semaphore, #tpu.memory_space<semaphore_mem>>) src(%arg6 : memref<32x32xf32, #tpu.memory_space<vmem>>) dst(%dma_wait3A_14 : memref<32x32xf32, #tpu.memory_space<hbm>>)
      tpu.yield
    }) : () -> ()
    return
  }
}

module attributes {stable_mosaic.version = 14 : i64} {
  func.func @_tc_body(%arg0: i32, %arg1: memref<20480xi32, #tpu.memory_space<smem>>, %arg2: memref<50xi32, #tpu.memory_space<smem>>, %arg3: memref<1024x32xf32, #tpu.memory_space<vmem>>, %arg4: memref<2048x32xbf16, #tpu.memory_space<vmem>>, %arg5: memref<1024x32xf32, #tpu.memory_space<vmem>>, %arg6: memref<1x1xf32, #tpu.memory_space<vmem>>, %arg7: memref<1024x2048xf32, #tpu.memory_space<vmem>>, %arg8: memref<10x1024x128xf32, #tpu.memory_space<vmem>>, %arg9: memref<10x1024x128xi32, #tpu.memory_space<vmem>>) attributes {dimension_semantics = [#tpu.dimension_semantics<arbitrary>], iteration_bounds = array<i64: 49>, scalar_prefetch = 2 : i64, scratch_operands = 3 : i64, tpu.core_type = #tpu.core_type<tc>, window_params = [{pipeline_mode = #tpu.pipeline_mode<synchronous>, transform_indices = @transform_0, window_bounds = array<i64: 1024, 32>}, {transform_indices = @transform_1, window_bounds = array<i64: 2048, 32>}, {pipeline_mode = #tpu.pipeline_mode<synchronous>, transform_indices = @transform_2, window_bounds = array<i64: 1024, 32>}, {pipeline_mode = #tpu.pipeline_mode<synchronous>, transform_indices = @transform_3, window_bounds = array<i64: 1, 1>}]} {
    %eq3A = arith.constant 0 : i32
    %eq3A_0 = arith.cmpi eq, %arg0, %eq3A : i32
    %convert_element_type3A = arith.extui %eq3A_0 : i1 to i32
    %cond3A = arith.constant 0 : i32
    %cond3A_1 = arith.cmpi ne, %convert_element_type3A, %cond3A : i32
    scf.if %cond3A_1 {
      %broadcast_in_dim3A = arith.constant 0xFF800000 : f32
      %broadcast_in_dim3A_379 = vector.broadcast %broadcast_in_dim3A : f32 to vector<10x1024x128xf32>
      %swap3A_380 = arith.constant 0 : index
      %swap3A_381 = arith.constant 0 : index
      %swap3A_382 = arith.constant 0 : index
      %swap3A_383 = vector.load %arg8[%swap3A_380, %swap3A_381, %swap3A_382] : memref<10x1024x128xf32, #tpu.memory_space<vmem>>, vector<10x1024x128xf32>
      tpu.vector_store %arg8[%swap3A_380, %swap3A_381, %swap3A_382], %broadcast_in_dim3A_379 {strides = array<i32>} : memref<10x1024x128xf32, #tpu.memory_space<vmem>>, vector<10x1024x128xf32>,
    } else {
    }
    %get3A = arith.constant 0 : index
    %get3A_2 = arith.constant 0 : index
    %get3A_3 = vector.load %arg3[%get3A, %get3A_2] : memref<1024x32xf32, #tpu.memory_space<vmem>>, vector<1024x32xf32>
    %convert_element_type3A_4 = arith.truncf %get3A_3 : vector<1024x32xf32> to vector<1024x32xbf16>
    %get3A_5 = arith.constant 0 : index
    %get3A_6 = arith.constant 0 : index
    %get3A_7 = vector.load %arg4[%get3A_5, %get3A_6] : memref<2048x32xbf16, #tpu.memory_space<vmem>>, vector<2048x32xbf16>
    %dot_general3A = arith.constant dense<0.000000e+00> : vector<1024x2048xf32>
    %dot_general3A_8 = tpu.matmul %convert_element_type3A_4, %get3A_7, %dot_general3A {dimension_numbers = #tpu.dot_dimension_numbers<[1], [1], [0], [0], [0, 0, 1, 0], [], []>, transpose_lhs_hint = false} : vector<1024x32xbf16>, vector<2048x32xbf16>, vector<1024x2048xf32> -> vector<1024x2048xf32>
    %swap3A = arith.constant 0 : index
    %swap3A_9 = arith.constant 0 : index
    %swap3A_10 = vector.load %arg7[%swap3A, %swap3A_9] : memref<1024x2048xf32, #tpu.memory_space<vmem>>, vector<1024x2048xf32>
    tpu.vector_store %arg7[%swap3A, %swap3A_9], %dot_general3A_8 {strides = array<i32>} : memref<1024x2048xf32, #tpu.memory_space<vmem>>, vector<1024x2048xf32>,
    %eq3A_11 = arith.constant 48 : i32
    %eq3A_12 = arith.cmpi eq, %arg0, %eq3A_11 : i32
    %convert_element_type3A_13 = arith.extui %eq3A_12 : i1 to i32
    %cond3A_14 = arith.constant 0 : i32
    %cond3A_15 = arith.cmpi ne, %convert_element_type3A_13, %cond3A_14 : i32
    scf.if %cond3A_15 {
      %broadcast_in_dim3A = arith.constant 0xFF800000 : f32
      %broadcast_in_dim3A_379 = vector.broadcast %broadcast_in_dim3A : f32 to vector<1024x352xf32>
      %swap3A_380 = arith.constant 0 : index
      %swap3A_381 = arith.constant 1696 : index
      %swap3A_382 = vector.load %arg7[%swap3A_380, %swap3A_381] : memref<1024x2048xf32, #tpu.memory_space<vmem>>, vector<1024x352xf32>
      tpu.vector_store %arg7[%swap3A_380, %swap3A_381], %broadcast_in_dim3A_379 {strides = array<i32>} : memref<1024x2048xf32, #tpu.memory_space<vmem>>, vector<1024x352xf32>,
    } else {
    }
    %get3A_16 = arith.index_cast %arg0 : i32 to index
    %get3A_17 = memref.load %arg2[%get3A_16] : memref<50xi32, #tpu.memory_space<smem>>
    %add3A = arith.constant 1 : i32
    %add3A_18 = arith.addi %arg0, %add3A : i32
    %get3A_19 = arith.index_cast %add3A_18 : i32 to index
    %get3A_20 = memref.load %arg2[%get3A_19] : memref<50xi32, #tpu.memory_space<smem>>
    %iota3A = tpu.iota {dimensions = array<i32: 0>} : vector<8x128xi32>
    %iota3A_21 = tpu.iota {dimensions = array<i32: 1>} : vector<8x128xi32>
    %while3A = arith.constant 0 : i32
    %while3A_22 = arith.subi %get3A_20, %get3A_17 : i32
    %while3A_23 = arith.addi %get3A_17, %while3A_22 : i32
    %while3A_24 = arith.constant 1 : i32
    %while3A_25 = arith.divsi %while3A_22, %while3A_24 : i32
    %while3A_26 = arith.muli %while3A_25, %while3A_24 : i32
    %while3A_27 = arith.addi %get3A_17, %while3A_26 : i32
    %while3A_28 = arith.constant 1 : i32
    scf.for %while3A_379 = %get3A_17 to %while3A_27 step %while3A_28  : i32 {
      %get3A_380 = arith.index_cast %while3A_379 : i32 to index
      %get3A_381 = memref.load %arg1[%get3A_380] : memref<20480xi32, #tpu.memory_space<smem>>
      %and3A = arith.constant 1023 : i32
      %and3A_382 = arith.andi %get3A_381, %and3A : i32
      %shift_right_arithmetic3A = arith.constant 10 : i32
      %shift_right_arithmetic3A_383 = arith.shrsi %get3A_381, %shift_right_arithmetic3A : i32
      %mul3A = arith.constant 2048 : i32
      %mul3A_384 = arith.muli %arg0, %mul3A : i32
      %sub3A = arith.subi %shift_right_arithmetic3A_383, %mul3A_384 : i32
      %and3A_385 = arith.constant -8 : i32
      %and3A_386 = arith.andi %and3A_382, %and3A_385 : i32
      %multiple_of3A = tpu.assume_multiple %and3A_386, 8 : i32
      %and3A_387 = arith.constant -128 : i32
      %and3A_388 = arith.andi %sub3A, %and3A_387 : i32
      %multiple_of3A_389 = tpu.assume_multiple %and3A_388, 128 : i32
      %get3A_390 = arith.index_cast %multiple_of3A : i32 to index
      %get3A_391 = arith.index_cast %multiple_of3A_389 : i32 to index
      %get3A_392 = vector.load %arg7[%get3A_390, %get3A_391] : memref<1024x2048xf32, #tpu.memory_space<vmem>>, vector<8x128xf32>
      %and3A_393 = arith.constant 7 : i32
      %and3A_394 = arith.andi %and3A_382, %and3A_393 : i32
      %eq3A_395 = vector.broadcast %and3A_394 : i32 to vector<8x128xi32>
      %eq3A_396 = arith.cmpi eq, %iota3A, %eq3A_395 : vector<8x128xi32>
      %and3A_397 = arith.constant 127 : i32
      %and3A_398 = arith.andi %sub3A, %and3A_397 : i32
      %eq3A_399 = vector.broadcast %and3A_398 : i32 to vector<8x128xi32>
      %eq3A_400 = arith.cmpi eq, %iota3A_21, %eq3A_399 : vector<8x128xi32>
      %and3A_401 = arith.andi %eq3A_396, %eq3A_400 : vector<8x128xi1>
      %jit3A = arith.constant -1.024000e+03 : f32
      %broadcast_in_dim3A = vector.broadcast %jit3A : f32 to vector<8x128xf32>
      %select_n3A = arith.select %and3A_401, %broadcast_in_dim3A, %get3A_392 : vector<8x128xi1>, vector<8x128xf32>
      %swap3A_402 = arith.index_cast %multiple_of3A : i32 to index
      %swap3A_403 = arith.index_cast %multiple_of3A_389 : i32 to index
      %swap3A_404 = vector.load %arg7[%swap3A_402, %swap3A_403] : memref<1024x2048xf32, #tpu.memory_space<vmem>>, vector<8x128xf32>
      tpu.vector_store %arg7[%swap3A_402, %swap3A_403], %select_n3A {strides = array<i32>} : memref<1024x2048xf32, #tpu.memory_space<vmem>>, vector<8x128xf32>,
    }
    %while3A_29 = arith.constant 1 : i32
    scf.for %while3A_379 = %while3A_27 to %while3A_23 step %while3A_29  : i32 {
      %get3A_380 = arith.index_cast %while3A_379 : i32 to index
      %get3A_381 = memref.load %arg1[%get3A_380] : memref<20480xi32, #tpu.memory_space<smem>>
      %and3A = arith.constant 1023 : i32
      %and3A_382 = arith.andi %get3A_381, %and3A : i32
      %shift_right_arithmetic3A = arith.constant 10 : i32
      %shift_right_arithmetic3A_383 = arith.shrsi %get3A_381, %shift_right_arithmetic3A : i32
      %mul3A = arith.constant 2048 : i32
      %mul3A_384 = arith.muli %arg0, %mul3A : i32
      %sub3A = arith.subi %shift_right_arithmetic3A_383, %mul3A_384 : i32
      %and3A_385 = arith.constant -8 : i32
      %and3A_386 = arith.andi %and3A_382, %and3A_385 : i32
      %multiple_of3A = tpu.assume_multiple %and3A_386, 8 : i32
      %and3A_387 = arith.constant -128 : i32
      %and3A_388 = arith.andi %sub3A, %and3A_387 : i32
      %multiple_of3A_389 = tpu.assume_multiple %and3A_388, 128 : i32
      %get3A_390 = arith.index_cast %multiple_of3A : i32 to index
      %get3A_391 = arith.index_cast %multiple_of3A_389 : i32 to index
      %get3A_392 = vector.load %arg7[%get3A_390, %get3A_391] : memref<1024x2048xf32, #tpu.memory_space<vmem>>, vector<8x128xf32>
      %and3A_393 = arith.constant 7 : i32
      %and3A_394 = arith.andi %and3A_382, %and3A_393 : i32
      %eq3A_395 = vector.broadcast %and3A_394 : i32 to vector<8x128xi32>
      %eq3A_396 = arith.cmpi eq, %iota3A, %eq3A_395 : vector<8x128xi32>
      %and3A_397 = arith.constant 127 : i32
      %and3A_398 = arith.andi %sub3A, %and3A_397 : i32
      %eq3A_399 = vector.broadcast %and3A_398 : i32 to vector<8x128xi32>
      %eq3A_400 = arith.cmpi eq, %iota3A_21, %eq3A_399 : vector<8x128xi32>
      %and3A_401 = arith.andi %eq3A_396, %eq3A_400 : vector<8x128xi1>
      %jit3A = arith.constant -1.024000e+03 : f32
      %broadcast_in_dim3A = vector.broadcast %jit3A : f32 to vector<8x128xf32>
      %select_n3A = arith.select %and3A_401, %broadcast_in_dim3A, %get3A_392 : vector<8x128xi1>, vector<8x128xf32>
      %swap3A_402 = arith.index_cast %multiple_of3A : i32 to index
      %swap3A_403 = arith.index_cast %multiple_of3A_389 : i32 to index
      %swap3A_404 = vector.load %arg7[%swap3A_402, %swap3A_403] : memref<1024x2048xf32, #tpu.memory_space<vmem>>, vector<8x128xf32>
      tpu.vector_store %arg7[%swap3A_402, %swap3A_403], %select_n3A {strides = array<i32>} : memref<1024x2048xf32, #tpu.memory_space<vmem>>, vector<8x128xf32>,
    }
    %get3A_30 = arith.constant 0 : index
    %get3A_31 = arith.constant 0 : index
    %get3A_32 = vector.load %arg7[%get3A_30, %get3A_31] : memref<1024x2048xf32, #tpu.memory_space<vmem>>, vector<1024x128xf32>
    %get3A_33 = arith.constant 0 : index
    %get3A_34 = arith.constant 128 : index
    %get3A_35 = vector.load %arg7[%get3A_33, %get3A_34] : memref<1024x2048xf32, #tpu.memory_space<vmem>>, vector<1024x128xf32>
    %get3A_36 = arith.constant 0 : index
    %get3A_37 = arith.constant 256 : index
    %get3A_38 = vector.load %arg7[%get3A_36, %get3A_37] : memref<1024x2048xf32, #tpu.memory_space<vmem>>, vector<1024x128xf32>
    %get3A_39 = arith.constant 0 : index
    %get3A_40 = arith.constant 384 : index
    %get3A_41 = vector.load %arg7[%get3A_39, %get3A_40] : memref<1024x2048xf32, #tpu.memory_space<vmem>>, vector<1024x128xf32>
    %get3A_42 = arith.constant 0 : index
    %get3A_43 = arith.constant 512 : index
    %get3A_44 = vector.load %arg7[%get3A_42, %get3A_43] : memref<1024x2048xf32, #tpu.memory_space<vmem>>, vector<1024x128xf32>
    %get3A_45 = arith.constant 0 : index
    %get3A_46 = arith.constant 640 : index
    %get3A_47 = vector.load %arg7[%get3A_45, %get3A_46] : memref<1024x2048xf32, #tpu.memory_space<vmem>>, vector<1024x128xf32>
    %get3A_48 = arith.constant 0 : index
    %get3A_49 = arith.constant 768 : index
    %get3A_50 = vector.load %arg7[%get3A_48, %get3A_49] : memref<1024x2048xf32, #tpu.memory_space<vmem>>, vector<1024x128xf32>
    %get3A_51 = arith.constant 0 : index
    %get3A_52 = arith.constant 896 : index
    %get3A_53 = vector.load %arg7[%get3A_51, %get3A_52] : memref<1024x2048xf32, #tpu.memory_space<vmem>>, vector<1024x128xf32>
    %get3A_54 = arith.constant 0 : index
    %get3A_55 = arith.constant 1024 : index
    %get3A_56 = vector.load %arg7[%get3A_54, %get3A_55] : memref<1024x2048xf32, #tpu.memory_space<vmem>>, vector<1024x128xf32>
    %get3A_57 = arith.constant 0 : index
    %get3A_58 = arith.constant 1152 : index
    %get3A_59 = vector.load %arg7[%get3A_57, %get3A_58] : memref<1024x2048xf32, #tpu.memory_space<vmem>>, vector<1024x128xf32>
    %get3A_60 = arith.constant 0 : index
    %get3A_61 = arith.constant 1280 : index
    %get3A_62 = vector.load %arg7[%get3A_60, %get3A_61] : memref<1024x2048xf32, #tpu.memory_space<vmem>>, vector<1024x128xf32>
    %get3A_63 = arith.constant 0 : index
    %get3A_64 = arith.constant 1408 : index
    %get3A_65 = vector.load %arg7[%get3A_63, %get3A_64] : memref<1024x2048xf32, #tpu.memory_space<vmem>>, vector<1024x128xf32>
    %get3A_66 = arith.constant 0 : index
    %get3A_67 = arith.constant 1536 : index
    %get3A_68 = vector.load %arg7[%get3A_66, %get3A_67] : memref<1024x2048xf32, #tpu.memory_space<vmem>>, vector<1024x128xf32>
    %get3A_69 = arith.constant 0 : index
    %get3A_70 = arith.constant 1664 : index
    %get3A_71 = vector.load %arg7[%get3A_69, %get3A_70] : memref<1024x2048xf32, #tpu.memory_space<vmem>>, vector<1024x128xf32>
    %get3A_72 = arith.constant 0 : index
    %get3A_73 = arith.constant 1792 : index
    %get3A_74 = vector.load %arg7[%get3A_72, %get3A_73] : memref<1024x2048xf32, #tpu.memory_space<vmem>>, vector<1024x128xf32>
    %get3A_75 = arith.constant 0 : index
    %get3A_76 = arith.constant 1920 : index
    %get3A_77 = vector.load %arg7[%get3A_75, %get3A_76] : memref<1024x2048xf32, #tpu.memory_space<vmem>>, vector<1024x128xf32>
    %max3A = arith.maximumf %get3A_32, %get3A_35 : vector<1024x128xf32>
    %min3A = arith.minimumf %get3A_32, %get3A_35 : vector<1024x128xf32>
    %max3A_78 = arith.maximumf %get3A_38, %get3A_41 : vector<1024x128xf32>
    %min3A_79 = arith.minimumf %get3A_38, %get3A_41 : vector<1024x128xf32>
    %max3A_80 = arith.maximumf %get3A_44, %get3A_47 : vector<1024x128xf32>
    %min3A_81 = arith.minimumf %get3A_44, %get3A_47 : vector<1024x128xf32>
    %max3A_82 = arith.maximumf %get3A_50, %get3A_53 : vector<1024x128xf32>
    %min3A_83 = arith.minimumf %get3A_50, %get3A_53 : vector<1024x128xf32>
    %max3A_84 = arith.maximumf %get3A_56, %get3A_59 : vector<1024x128xf32>
    %min3A_85 = arith.minimumf %get3A_56, %get3A_59 : vector<1024x128xf32>
    %max3A_86 = arith.maximumf %get3A_62, %get3A_65 : vector<1024x128xf32>
    %min3A_87 = arith.minimumf %get3A_62, %get3A_65 : vector<1024x128xf32>
    %max3A_88 = arith.maximumf %get3A_68, %get3A_71 : vector<1024x128xf32>
    %min3A_89 = arith.minimumf %get3A_68, %get3A_71 : vector<1024x128xf32>
    %max3A_90 = arith.maximumf %get3A_74, %get3A_77 : vector<1024x128xf32>
    %min3A_91 = arith.minimumf %get3A_74, %get3A_77 : vector<1024x128xf32>
    %max3A_92 = arith.maximumf %max3A, %max3A_78 : vector<1024x128xf32>
    %min3A_93 = arith.minimumf %max3A, %max3A_78 : vector<1024x128xf32>
    %max3A_94 = arith.maximumf %min3A, %min3A_79 : vector<1024x128xf32>
    %min3A_95 = arith.minimumf %min3A, %min3A_79 : vector<1024x128xf32>
    %max3A_96 = arith.maximumf %max3A_80, %max3A_82 : vector<1024x128xf32>
    %min3A_97 = arith.minimumf %max3A_80, %max3A_82 : vector<1024x128xf32>
    %max3A_98 = arith.maximumf %min3A_81, %min3A_83 : vector<1024x128xf32>
    %min3A_99 = arith.minimumf %min3A_81, %min3A_83 : vector<1024x128xf32>
    %max3A_100 = arith.maximumf %max3A_84, %max3A_86 : vector<1024x128xf32>
    %min3A_101 = arith.minimumf %max3A_84, %max3A_86 : vector<1024x128xf32>
    %max3A_102 = arith.maximumf %min3A_85, %min3A_87 : vector<1024x128xf32>
    %min3A_103 = arith.minimumf %min3A_85, %min3A_87 : vector<1024x128xf32>
    %max3A_104 = arith.maximumf %max3A_88, %max3A_90 : vector<1024x128xf32>
    %min3A_105 = arith.minimumf %max3A_88, %max3A_90 : vector<1024x128xf32>
    %max3A_106 = arith.maximumf %min3A_89, %min3A_91 : vector<1024x128xf32>
    %min3A_107 = arith.minimumf %min3A_89, %min3A_91 : vector<1024x128xf32>
    %max3A_108 = arith.maximumf %max3A_94, %min3A_93 : vector<1024x128xf32>
    %min3A_109 = arith.minimumf %max3A_94, %min3A_93 : vector<1024x128xf32>
    %max3A_110 = arith.maximumf %max3A_98, %min3A_97 : vector<1024x128xf32>
    %min3A_111 = arith.minimumf %max3A_98, %min3A_97 : vector<1024x128xf32>
    %max3A_112 = arith.maximumf %max3A_102, %min3A_101 : vector<1024x128xf32>
    %min3A_113 = arith.minimumf %max3A_102, %min3A_101 : vector<1024x128xf32>
    %max3A_114 = arith.maximumf %max3A_106, %min3A_105 : vector<1024x128xf32>
    %min3A_115 = arith.minimumf %max3A_106, %min3A_105 : vector<1024x128xf32>
    %max3A_116 = arith.maximumf %max3A_92, %max3A_96 : vector<1024x128xf32>
    %min3A_117 = arith.minimumf %max3A_92, %max3A_96 : vector<1024x128xf32>
    %max3A_118 = arith.maximumf %max3A_108, %max3A_110 : vector<1024x128xf32>
    %min3A_119 = arith.minimumf %max3A_108, %max3A_110 : vector<1024x128xf32>
    %max3A_120 = arith.maximumf %min3A_109, %min3A_111 : vector<1024x128xf32>
    %min3A_121 = arith.minimumf %min3A_109, %min3A_111 : vector<1024x128xf32>
    %max3A_122 = arith.maximumf %min3A_95, %min3A_99 : vector<1024x128xf32>
    %min3A_123 = arith.minimumf %min3A_95, %min3A_99 : vector<1024x128xf32>
    %max3A_124 = arith.maximumf %max3A_100, %max3A_104 : vector<1024x128xf32>
    %min3A_125 = arith.minimumf %max3A_100, %max3A_104 : vector<1024x128xf32>
    %max3A_126 = arith.maximumf %max3A_112, %max3A_114 : vector<1024x128xf32>
    %min3A_127 = arith.minimumf %max3A_112, %max3A_114 : vector<1024x128xf32>
    %max3A_128 = arith.maximumf %min3A_113, %min3A_115 : vector<1024x128xf32>
    %min3A_129 = arith.minimumf %min3A_113, %min3A_115 : vector<1024x128xf32>
    %max3A_130 = arith.maximumf %min3A_103, %min3A_107 : vector<1024x128xf32>
    %min3A_131 = arith.minimumf %min3A_103, %min3A_107 : vector<1024x128xf32>
    %max3A_132 = arith.maximumf %max3A_120, %min3A_117 : vector<1024x128xf32>
    %min3A_133 = arith.minimumf %max3A_120, %min3A_117 : vector<1024x128xf32>
    %max3A_134 = arith.maximumf %max3A_122, %min3A_119 : vector<1024x128xf32>
    %min3A_135 = arith.minimumf %max3A_122, %min3A_119 : vector<1024x128xf32>
    %max3A_136 = arith.maximumf %max3A_128, %min3A_125 : vector<1024x128xf32>
    %min3A_137 = arith.minimumf %max3A_128, %min3A_125 : vector<1024x128xf32>
    %max3A_138 = arith.maximumf %max3A_130, %min3A_127 : vector<1024x128xf32>
    %min3A_139 = arith.minimumf %max3A_130, %min3A_127 : vector<1024x128xf32>
    %max3A_140 = arith.maximumf %max3A_118, %max3A_132 : vector<1024x128xf32>
    %min3A_141 = arith.minimumf %max3A_118, %max3A_132 : vector<1024x128xf32>
    %max3A_142 = arith.maximumf %max3A_134, %min3A_133 : vector<1024x128xf32>
    %min3A_143 = arith.minimumf %max3A_134, %min3A_133 : vector<1024x128xf32>
    %max3A_144 = arith.maximumf %min3A_135, %min3A_121 : vector<1024x128xf32>
    %min3A_145 = arith.minimumf %min3A_135, %min3A_121 : vector<1024x128xf32>
    %max3A_146 = arith.maximumf %max3A_126, %max3A_136 : vector<1024x128xf32>
    %min3A_147 = arith.minimumf %max3A_126, %max3A_136 : vector<1024x128xf32>
    %max3A_148 = arith.maximumf %max3A_138, %min3A_137 : vector<1024x128xf32>
    %min3A_149 = arith.minimumf %max3A_138, %min3A_137 : vector<1024x128xf32>
    %max3A_150 = arith.maximumf %min3A_139, %min3A_129 : vector<1024x128xf32>
    %min3A_151 = arith.minimumf %min3A_139, %min3A_129 : vector<1024x128xf32>
    %max3A_152 = arith.maximumf %max3A_116, %max3A_124 : vector<1024x128xf32>
    %min3A_153 = arith.minimumf %max3A_116, %max3A_124 : vector<1024x128xf32>
    %max3A_154 = arith.maximumf %max3A_140, %max3A_146 : vector<1024x128xf32>
    %min3A_155 = arith.minimumf %max3A_140, %max3A_146 : vector<1024x128xf32>
    %max3A_156 = arith.maximumf %min3A_141, %min3A_147 : vector<1024x128xf32>
    %min3A_157 = arith.minimumf %min3A_141, %min3A_147 : vector<1024x128xf32>
    %max3A_158 = arith.maximumf %max3A_142, %max3A_148 : vector<1024x128xf32>
    %min3A_159 = arith.minimumf %max3A_142, %max3A_148 : vector<1024x128xf32>
    %max3A_160 = arith.maximumf %min3A_143, %min3A_149 : vector<1024x128xf32>
    %min3A_161 = arith.minimumf %min3A_143, %min3A_149 : vector<1024x128xf32>
    %max3A_162 = arith.maximumf %max3A_144, %max3A_150 : vector<1024x128xf32>
    %max3A_163 = arith.maximumf %min3A_145, %min3A_151 : vector<1024x128xf32>
    %max3A_164 = arith.maximumf %min3A_123, %min3A_131 : vector<1024x128xf32>
    %max3A_165 = arith.maximumf %max3A_160, %min3A_153 : vector<1024x128xf32>
    %min3A_166 = arith.minimumf %max3A_160, %min3A_153 : vector<1024x128xf32>
    %max3A_167 = arith.maximumf %max3A_162, %min3A_155 : vector<1024x128xf32>
    %min3A_168 = arith.minimumf %max3A_162, %min3A_155 : vector<1024x128xf32>
    %max3A_169 = arith.maximumf %max3A_163, %min3A_157 : vector<1024x128xf32>
    %min3A_170 = arith.minimumf %max3A_163, %min3A_157 : vector<1024x128xf32>
    %max3A_171 = arith.maximumf %max3A_164, %min3A_159 : vector<1024x128xf32>
    %max3A_172 = arith.maximumf %max3A_156, %max3A_165 : vector<1024x128xf32>
    %min3A_173 = arith.minimumf %max3A_156, %max3A_165 : vector<1024x128xf32>
    %max3A_174 = arith.maximumf %max3A_158, %max3A_167 : vector<1024x128xf32>
    %min3A_175 = arith.minimumf %max3A_158, %max3A_167 : vector<1024x128xf32>
    %max3A_176 = arith.maximumf %max3A_169, %min3A_166 : vector<1024x128xf32>
    %min3A_177 = arith.minimumf %max3A_169, %min3A_166 : vector<1024x128xf32>
    %max3A_178 = arith.maximumf %max3A_171, %min3A_168 : vector<1024x128xf32>
    %min3A_179 = arith.minimumf %max3A_171, %min3A_168 : vector<1024x128xf32>
    %max3A_180 = arith.maximumf %min3A_170, %min3A_161 : vector<1024x128xf32>
    %max3A_181 = arith.maximumf %max3A_154, %max3A_172 : vector<1024x128xf32>
    %min3A_182 = arith.minimumf %max3A_154, %max3A_172 : vector<1024x128xf32>
    %max3A_183 = arith.maximumf %max3A_174, %min3A_173 : vector<1024x128xf32>
    %min3A_184 = arith.minimumf %max3A_174, %min3A_173 : vector<1024x128xf32>
    %max3A_185 = arith.maximumf %min3A_175, %max3A_176 : vector<1024x128xf32>
    %min3A_186 = arith.minimumf %min3A_175, %max3A_176 : vector<1024x128xf32>
    %max3A_187 = arith.maximumf %max3A_178, %min3A_177 : vector<1024x128xf32>
    %min3A_188 = arith.minimumf %max3A_178, %min3A_177 : vector<1024x128xf32>
    %max3A_189 = arith.maximumf %min3A_179, %max3A_180 : vector<1024x128xf32>
    %get3A_190 = arith.constant 0 : index
    %get3A_191 = arith.constant 0 : index
    %get3A_192 = arith.constant 0 : index
    %get3A_193 = vector.load %arg8[%get3A_190, %get3A_191, %get3A_192] : memref<10x1024x128xf32, #tpu.memory_space<vmem>>, vector<1x1024x128xf32>
    %get3A_194 = vector.shape_cast %get3A_193 : vector<1x1024x128xf32> to vector<1024x128xf32>
    %get3A_195 = arith.constant 1 : index
    %get3A_196 = arith.constant 0 : index
    %get3A_197 = arith.constant 0 : index
    %get3A_198 = vector.load %arg8[%get3A_195, %get3A_196, %get3A_197] : memref<10x1024x128xf32, #tpu.memory_space<vmem>>, vector<1x1024x128xf32>
    %get3A_199 = vector.shape_cast %get3A_198 : vector<1x1024x128xf32> to vector<1024x128xf32>
    %get3A_200 = arith.constant 2 : index
    %get3A_201 = arith.constant 0 : index
    %get3A_202 = arith.constant 0 : index
    %get3A_203 = vector.load %arg8[%get3A_200, %get3A_201, %get3A_202] : memref<10x1024x128xf32, #tpu.memory_space<vmem>>, vector<1x1024x128xf32>
    %get3A_204 = vector.shape_cast %get3A_203 : vector<1x1024x128xf32> to vector<1024x128xf32>
    %get3A_205 = arith.constant 3 : index
    %get3A_206 = arith.constant 0 : index
    %get3A_207 = arith.constant 0 : index
    %get3A_208 = vector.load %arg8[%get3A_205, %get3A_206, %get3A_207] : memref<10x1024x128xf32, #tpu.memory_space<vmem>>, vector<1x1024x128xf32>
    %get3A_209 = vector.shape_cast %get3A_208 : vector<1x1024x128xf32> to vector<1024x128xf32>
    %get3A_210 = arith.constant 4 : index
    %get3A_211 = arith.constant 0 : index
    %get3A_212 = arith.constant 0 : index
    %get3A_213 = vector.load %arg8[%get3A_210, %get3A_211, %get3A_212] : memref<10x1024x128xf32, #tpu.memory_space<vmem>>, vector<1x1024x128xf32>
    %get3A_214 = vector.shape_cast %get3A_213 : vector<1x1024x128xf32> to vector<1024x128xf32>
    %get3A_215 = arith.constant 5 : index
    %get3A_216 = arith.constant 0 : index
    %get3A_217 = arith.constant 0 : index
    %get3A_218 = vector.load %arg8[%get3A_215, %get3A_216, %get3A_217] : memref<10x1024x128xf32, #tpu.memory_space<vmem>>, vector<1x1024x128xf32>
    %get3A_219 = vector.shape_cast %get3A_218 : vector<1x1024x128xf32> to vector<1024x128xf32>
    %get3A_220 = arith.constant 6 : index
    %get3A_221 = arith.constant 0 : index
    %get3A_222 = arith.constant 0 : index
    %get3A_223 = vector.load %arg8[%get3A_220, %get3A_221, %get3A_222] : memref<10x1024x128xf32, #tpu.memory_space<vmem>>, vector<1x1024x128xf32>
    %get3A_224 = vector.shape_cast %get3A_223 : vector<1x1024x128xf32> to vector<1024x128xf32>
    %get3A_225 = arith.constant 7 : index
    %get3A_226 = arith.constant 0 : index
    %get3A_227 = arith.constant 0 : index
    %get3A_228 = vector.load %arg8[%get3A_225, %get3A_226, %get3A_227] : memref<10x1024x128xf32, #tpu.memory_space<vmem>>, vector<1x1024x128xf32>
    %get3A_229 = vector.shape_cast %get3A_228 : vector<1x1024x128xf32> to vector<1024x128xf32>
    %get3A_230 = arith.constant 8 : index
    %get3A_231 = arith.constant 0 : index
    %get3A_232 = arith.constant 0 : index
    %get3A_233 = vector.load %arg8[%get3A_230, %get3A_231, %get3A_232] : memref<10x1024x128xf32, #tpu.memory_space<vmem>>, vector<1x1024x128xf32>
    %get3A_234 = vector.shape_cast %get3A_233 : vector<1x1024x128xf32> to vector<1024x128xf32>
    %get3A_235 = arith.constant 9 : index
    %get3A_236 = arith.constant 0 : index
    %get3A_237 = arith.constant 0 : index
    %get3A_238 = vector.load %arg8[%get3A_235, %get3A_236, %get3A_237] : memref<10x1024x128xf32, #tpu.memory_space<vmem>>, vector<1x1024x128xf32>
    %get3A_239 = vector.shape_cast %get3A_238 : vector<1x1024x128xf32> to vector<1024x128xf32>
    %max3A_240 = arith.maximumf %get3A_194, %max3A_189 : vector<1024x128xf32>
    %max3A_241 = arith.maximumf %get3A_199, %min3A_188 : vector<1024x128xf32>
    %max3A_242 = arith.maximumf %get3A_204, %max3A_187 : vector<1024x128xf32>
    %max3A_243 = arith.maximumf %get3A_209, %min3A_186 : vector<1024x128xf32>
    %max3A_244 = arith.maximumf %get3A_214, %max3A_185 : vector<1024x128xf32>
    %max3A_245 = arith.maximumf %get3A_219, %min3A_184 : vector<1024x128xf32>
    %max3A_246 = arith.maximumf %get3A_224, %max3A_183 : vector<1024x128xf32>
    %max3A_247 = arith.maximumf %get3A_229, %min3A_182 : vector<1024x128xf32>
    %max3A_248 = arith.maximumf %get3A_234, %max3A_181 : vector<1024x128xf32>
    %max3A_249 = arith.maximumf %get3A_239, %max3A_152 : vector<1024x128xf32>
    %max3A_250 = arith.maximumf %max3A_240, %max3A_241 : vector<1024x128xf32>
    %min3A_251 = arith.minimumf %max3A_240, %max3A_241 : vector<1024x128xf32>
    %max3A_252 = arith.maximumf %max3A_242, %max3A_243 : vector<1024x128xf32>
    %min3A_253 = arith.minimumf %max3A_242, %max3A_243 : vector<1024x128xf32>
    %max3A_254 = arith.maximumf %max3A_244, %max3A_245 : vector<1024x128xf32>
    %min3A_255 = arith.minimumf %max3A_244, %max3A_245 : vector<1024x128xf32>
    %max3A_256 = arith.maximumf %max3A_246, %max3A_247 : vector<1024x128xf32>
    %min3A_257 = arith.minimumf %max3A_246, %max3A_247 : vector<1024x128xf32>
    %max3A_258 = arith.maximumf %max3A_248, %max3A_249 : vector<1024x128xf32>
    %min3A_259 = arith.minimumf %max3A_248, %max3A_249 : vector<1024x128xf32>
    %max3A_260 = arith.maximumf %max3A_250, %max3A_252 : vector<1024x128xf32>
    %min3A_261 = arith.minimumf %max3A_250, %max3A_252 : vector<1024x128xf32>
    %max3A_262 = arith.maximumf %min3A_251, %min3A_253 : vector<1024x128xf32>
    %min3A_263 = arith.minimumf %min3A_251, %min3A_253 : vector<1024x128xf32>
    %max3A_264 = arith.maximumf %max3A_254, %max3A_256 : vector<1024x128xf32>
    %min3A_265 = arith.minimumf %max3A_254, %max3A_256 : vector<1024x128xf32>
    %max3A_266 = arith.maximumf %min3A_255, %min3A_257 : vector<1024x128xf32>
    %min3A_267 = arith.minimumf %min3A_255, %min3A_257 : vector<1024x128xf32>
    %max3A_268 = arith.maximumf %max3A_262, %min3A_261 : vector<1024x128xf32>
    %min3A_269 = arith.minimumf %max3A_262, %min3A_261 : vector<1024x128xf32>
    %max3A_270 = arith.maximumf %max3A_266, %min3A_265 : vector<1024x128xf32>
    %min3A_271 = arith.minimumf %max3A_266, %min3A_265 : vector<1024x128xf32>
    %max3A_272 = arith.maximumf %max3A_260, %max3A_264 : vector<1024x128xf32>
    %min3A_273 = arith.minimumf %max3A_260, %max3A_264 : vector<1024x128xf32>
    %max3A_274 = arith.maximumf %max3A_268, %max3A_270 : vector<1024x128xf32>
    %min3A_275 = arith.minimumf %max3A_268, %max3A_270 : vector<1024x128xf32>
    %max3A_276 = arith.maximumf %min3A_269, %min3A_271 : vector<1024x128xf32>
    %min3A_277 = arith.minimumf %min3A_269, %min3A_271 : vector<1024x128xf32>
    %max3A_278 = arith.maximumf %min3A_263, %min3A_267 : vector<1024x128xf32>
    %min3A_279 = arith.minimumf %min3A_263, %min3A_267 : vector<1024x128xf32>
    %max3A_280 = arith.maximumf %max3A_276, %min3A_273 : vector<1024x128xf32>
    %min3A_281 = arith.minimumf %max3A_276, %min3A_273 : vector<1024x128xf32>
    %max3A_282 = arith.maximumf %max3A_278, %min3A_275 : vector<1024x128xf32>
    %min3A_283 = arith.minimumf %max3A_278, %min3A_275 : vector<1024x128xf32>
    %max3A_284 = arith.maximumf %max3A_274, %max3A_280 : vector<1024x128xf32>
    %min3A_285 = arith.minimumf %max3A_274, %max3A_280 : vector<1024x128xf32>
    %max3A_286 = arith.maximumf %max3A_282, %min3A_281 : vector<1024x128xf32>
    %min3A_287 = arith.minimumf %max3A_282, %min3A_281 : vector<1024x128xf32>
    %max3A_288 = arith.maximumf %min3A_283, %min3A_277 : vector<1024x128xf32>
    %min3A_289 = arith.minimumf %min3A_283, %min3A_277 : vector<1024x128xf32>
    %max3A_290 = arith.maximumf %max3A_272, %max3A_258 : vector<1024x128xf32>
    %min3A_291 = arith.minimumf %max3A_272, %max3A_258 : vector<1024x128xf32>
    %max3A_292 = arith.maximumf %max3A_284, %min3A_259 : vector<1024x128xf32>
    %min3A_293 = arith.minimumf %max3A_284, %min3A_259 : vector<1024x128xf32>
    %max3A_294 = arith.maximumf %min3A_287, %min3A_291 : vector<1024x128xf32>
    %min3A_295 = arith.minimumf %min3A_287, %min3A_291 : vector<1024x128xf32>
    %max3A_296 = arith.maximumf %max3A_288, %min3A_293 : vector<1024x128xf32>
    %min3A_297 = arith.minimumf %max3A_288, %min3A_293 : vector<1024x128xf32>
    %max3A_298 = arith.maximumf %min3A_285, %max3A_294 : vector<1024x128xf32>
    %min3A_299 = arith.minimumf %min3A_285, %max3A_294 : vector<1024x128xf32>
    %max3A_300 = arith.maximumf %max3A_286, %max3A_296 : vector<1024x128xf32>
    %min3A_301 = arith.minimumf %max3A_286, %max3A_296 : vector<1024x128xf32>
    %max3A_302 = arith.maximumf %min3A_289, %min3A_295 : vector<1024x128xf32>
    %min3A_303 = arith.minimumf %min3A_289, %min3A_295 : vector<1024x128xf32>
    %max3A_304 = arith.maximumf %min3A_279, %min3A_297 : vector<1024x128xf32>
    %min3A_305 = arith.minimumf %min3A_279, %min3A_297 : vector<1024x128xf32>
    %max3A_306 = arith.maximumf %max3A_292, %max3A_298 : vector<1024x128xf32>
    %min3A_307 = arith.minimumf %max3A_292, %max3A_298 : vector<1024x128xf32>
    %max3A_308 = arith.maximumf %max3A_300, %min3A_299 : vector<1024x128xf32>
    %min3A_309 = arith.minimumf %max3A_300, %min3A_299 : vector<1024x128xf32>
    %max3A_310 = arith.maximumf %min3A_301, %max3A_302 : vector<1024x128xf32>
    %min3A_311 = arith.minimumf %min3A_301, %max3A_302 : vector<1024x128xf32>
    %max3A_312 = arith.maximumf %max3A_304, %min3A_303 : vector<1024x128xf32>
    %min3A_313 = arith.minimumf %max3A_304, %min3A_303 : vector<1024x128xf32>
    %swap3A_314 = arith.constant 0 : index
    %swap3A_315 = arith.constant 0 : index
    %swap3A_316 = arith.constant 0 : index
    %swap3A_317 = vector.load %arg8[%swap3A_314, %swap3A_315, %swap3A_316] : memref<10x1024x128xf32, #tpu.memory_space<vmem>>, vector<1x1024x128xf32>
    %swap3A_318 = vector.shape_cast %swap3A_317 : vector<1x1024x128xf32> to vector<1024x128xf32>
    %swap3A_319 = vector.shape_cast %max3A_290 : vector<1024x128xf32> to vector<1x1024x128xf32>
    tpu.vector_store %arg8[%swap3A_314, %swap3A_315, %swap3A_316], %swap3A_319 {strides = array<i32>} : memref<10x1024x128xf32, #tpu.memory_space<vmem>>, vector<1x1024x128xf32>,
    %swap3A_320 = arith.constant 1 : index
    %swap3A_321 = arith.constant 0 : index
    %swap3A_322 = arith.constant 0 : index
    %swap3A_323 = vector.load %arg8[%swap3A_320, %swap3A_321, %swap3A_322] : memref<10x1024x128xf32, #tpu.memory_space<vmem>>, vector<1x1024x128xf32>
    %swap3A_324 = vector.shape_cast %swap3A_323 : vector<1x1024x128xf32> to vector<1024x128xf32>
    %swap3A_325 = vector.shape_cast %max3A_306 : vector<1024x128xf32> to vector<1x1024x128xf32>
    tpu.vector_store %arg8[%swap3A_320, %swap3A_321, %swap3A_322], %swap3A_325 {strides = array<i32>} : memref<10x1024x128xf32, #tpu.memory_space<vmem>>, vector<1x1024x128xf32>,
    %swap3A_326 = arith.constant 2 : index
    %swap3A_327 = arith.constant 0 : index
    %swap3A_328 = arith.constant 0 : index
    %swap3A_329 = vector.load %arg8[%swap3A_326, %swap3A_327, %swap3A_328] : memref<10x1024x128xf32, #tpu.memory_space<vmem>>, vector<1x1024x128xf32>
    %swap3A_330 = vector.shape_cast %swap3A_329 : vector<1x1024x128xf32> to vector<1024x128xf32>
    %swap3A_331 = vector.shape_cast %min3A_307 : vector<1024x128xf32> to vector<1x1024x128xf32>
    tpu.vector_store %arg8[%swap3A_326, %swap3A_327, %swap3A_328], %swap3A_331 {strides = array<i32>} : memref<10x1024x128xf32, #tpu.memory_space<vmem>>, vector<1x1024x128xf32>,
    %swap3A_332 = arith.constant 3 : index
    %swap3A_333 = arith.constant 0 : index
    %swap3A_334 = arith.constant 0 : index
    %swap3A_335 = vector.load %arg8[%swap3A_332, %swap3A_333, %swap3A_334] : memref<10x1024x128xf32, #tpu.memory_space<vmem>>, vector<1x1024x128xf32>
    %swap3A_336 = vector.shape_cast %swap3A_335 : vector<1x1024x128xf32> to vector<1024x128xf32>
    %swap3A_337 = vector.shape_cast %max3A_308 : vector<1024x128xf32> to vector<1x1024x128xf32>
    tpu.vector_store %arg8[%swap3A_332, %swap3A_333, %swap3A_334], %swap3A_337 {strides = array<i32>} : memref<10x1024x128xf32, #tpu.memory_space<vmem>>, vector<1x1024x128xf32>,
    %swap3A_338 = arith.constant 4 : index
    %swap3A_339 = arith.constant 0 : index
    %swap3A_340 = arith.constant 0 : index
    %swap3A_341 = vector.load %arg8[%swap3A_338, %swap3A_339, %swap3A_340] : memref<10x1024x128xf32, #tpu.memory_space<vmem>>, vector<1x1024x128xf32>
    %swap3A_342 = vector.shape_cast %swap3A_341 : vector<1x1024x128xf32> to vector<1024x128xf32>
    %swap3A_343 = vector.shape_cast %min3A_309 : vector<1024x128xf32> to vector<1x1024x128xf32>
    tpu.vector_store %arg8[%swap3A_338, %swap3A_339, %swap3A_340], %swap3A_343 {strides = array<i32>} : memref<10x1024x128xf32, #tpu.memory_space<vmem>>, vector<1x1024x128xf32>,
    %swap3A_344 = arith.constant 5 : index
    %swap3A_345 = arith.constant 0 : index
    %swap3A_346 = arith.constant 0 : index
    %swap3A_347 = vector.load %arg8[%swap3A_344, %swap3A_345, %swap3A_346] : memref<10x1024x128xf32, #tpu.memory_space<vmem>>, vector<1x1024x128xf32>
    %swap3A_348 = vector.shape_cast %swap3A_347 : vector<1x1024x128xf32> to vector<1024x128xf32>
    %swap3A_349 = vector.shape_cast %max3A_310 : vector<1024x128xf32> to vector<1x1024x128xf32>
    tpu.vector_store %arg8[%swap3A_344, %swap3A_345, %swap3A_346], %swap3A_349 {strides = array<i32>} : memref<10x1024x128xf32, #tpu.memory_space<vmem>>, vector<1x1024x128xf32>,
    %swap3A_350 = arith.constant 6 : index
    %swap3A_351 = arith.constant 0 : index
    %swap3A_352 = arith.constant 0 : index
    %swap3A_353 = vector.load %arg8[%swap3A_350, %swap3A_351, %swap3A_352] : memref<10x1024x128xf32, #tpu.memory_space<vmem>>, vector<1x1024x128xf32>
    %swap3A_354 = vector.shape_cast %swap3A_353 : vector<1x1024x128xf32> to vector<1024x128xf32>
    %swap3A_355 = vector.shape_cast %min3A_311 : vector<1024x128xf32> to vector<1x1024x128xf32>
    tpu.vector_store %arg8[%swap3A_350, %swap3A_351, %swap3A_352], %swap3A_355 {strides = array<i32>} : memref<10x1024x128xf32, #tpu.memory_space<vmem>>, vector<1x1024x128xf32>,
    %swap3A_356 = arith.constant 7 : index
    %swap3A_357 = arith.constant 0 : index
    %swap3A_358 = arith.constant 0 : index
    %swap3A_359 = vector.load %arg8[%swap3A_356, %swap3A_357, %swap3A_358] : memref<10x1024x128xf32, #tpu.memory_space<vmem>>, vector<1x1024x128xf32>
    %swap3A_360 = vector.shape_cast %swap3A_359 : vector<1x1024x128xf32> to vector<1024x128xf32>
    %swap3A_361 = vector.shape_cast %max3A_312 : vector<1024x128xf32> to vector<1x1024x128xf32>
    tpu.vector_store %arg8[%swap3A_356, %swap3A_357, %swap3A_358], %swap3A_361 {strides = array<i32>} : memref<10x1024x128xf32, #tpu.memory_space<vmem>>, vector<1x1024x128xf32>,
    %swap3A_362 = arith.constant 8 : index
    %swap3A_363 = arith.constant 0 : index
    %swap3A_364 = arith.constant 0 : index
    %swap3A_365 = vector.load %arg8[%swap3A_362, %swap3A_363, %swap3A_364] : memref<10x1024x128xf32, #tpu.memory_space<vmem>>, vector<1x1024x128xf32>
    %swap3A_366 = vector.shape_cast %swap3A_365 : vector<1x1024x128xf32> to vector<1024x128xf32>
    %swap3A_367 = vector.shape_cast %min3A_313 : vector<1024x128xf32> to vector<1x1024x128xf32>
    tpu.vector_store %arg8[%swap3A_362, %swap3A_363, %swap3A_364], %swap3A_367 {strides = array<i32>} : memref<10x1024x128xf32, #tpu.memory_space<vmem>>, vector<1x1024x128xf32>,
    %swap3A_368 = arith.constant 9 : index
    %swap3A_369 = arith.constant 0 : index
    %swap3A_370 = arith.constant 0 : index
    %swap3A_371 = vector.load %arg8[%swap3A_368, %swap3A_369, %swap3A_370] : memref<10x1024x128xf32, #tpu.memory_space<vmem>>, vector<1x1024x128xf32>
    %swap3A_372 = vector.shape_cast %swap3A_371 : vector<1x1024x128xf32> to vector<1024x128xf32>
    %swap3A_373 = vector.shape_cast %min3A_305 : vector<1024x128xf32> to vector<1x1024x128xf32>
    tpu.vector_store %arg8[%swap3A_368, %swap3A_369, %swap3A_370], %swap3A_373 {strides = array<i32>} : memref<10x1024x128xf32, #tpu.memory_space<vmem>>, vector<1x1024x128xf32>,
    %eq3A_374 = arith.constant 48 : i32
    %eq3A_375 = arith.cmpi eq, %arg0, %eq3A_374 : i32
    %convert_element_type3A_376 = arith.extui %eq3A_375 : i1 to i32
    %cond3A_377 = arith.constant 0 : i32
    %cond3A_378 = arith.cmpi ne, %convert_element_type3A_376, %cond3A_377 : i32
    scf.if %cond3A_378 {
      %get3A_379 = arith.constant 0 : index
      %get3A_380 = arith.constant 0 : index
      %get3A_381 = arith.constant 0 : index
      %get3A_382 = vector.load %arg8[%get3A_379, %get3A_380, %get3A_381] : memref<10x1024x128xf32, #tpu.memory_space<vmem>>, vector<1x1024x128xf32>
      %get3A_383 = vector.shape_cast %get3A_382 : vector<1x1024x128xf32> to vector<1024x128xf32>
      %bitcast_convert_type3A = tpu.bitcast %get3A_383 : vector<1024x128xf32> -> vector<1024x128xi32>
      %shift_right_arithmetic3A = arith.constant 31 : i32
      %shift_right_arithmetic3A_384 = vector.broadcast %shift_right_arithmetic3A : i32 to vector<1024x128xi32>
      %shift_right_arithmetic3A_385 = arith.shrsi %bitcast_convert_type3A, %shift_right_arithmetic3A_384 : vector<1024x128xi32>
      %and3A = arith.constant 2147483647 : i32
      %and3A_386 = vector.broadcast %and3A : i32 to vector<1024x128xi32>
      %and3A_387 = arith.andi %shift_right_arithmetic3A_385, %and3A_386 : vector<1024x128xi32>
      %xor3A = arith.xori %bitcast_convert_type3A, %and3A_387 : vector<1024x128xi32>
      %swap3A_388 = arith.constant 0 : index
      %swap3A_389 = arith.constant 0 : index
      %swap3A_390 = arith.constant 0 : index
      %swap3A_391 = vector.load %arg9[%swap3A_388, %swap3A_389, %swap3A_390] : memref<10x1024x128xi32, #tpu.memory_space<vmem>>, vector<1x1024x128xi32>
      %swap3A_392 = vector.shape_cast %swap3A_391 : vector<1x1024x128xi32> to vector<1024x128xi32>
      %swap3A_393 = vector.shape_cast %xor3A : vector<1024x128xi32> to vector<1x1024x128xi32>
      tpu.vector_store %arg9[%swap3A_388, %swap3A_389, %swap3A_390], %swap3A_393 {strides = array<i32>} : memref<10x1024x128xi32, #tpu.memory_space<vmem>>, vector<1x1024x128xi32>,
      %get3A_394 = arith.constant 1 : index
      %get3A_395 = arith.constant 0 : index
      %get3A_396 = arith.constant 0 : index
      %get3A_397 = vector.load %arg8[%get3A_394, %get3A_395, %get3A_396] : memref<10x1024x128xf32, #tpu.memory_space<vmem>>, vector<1x1024x128xf32>
      %get3A_398 = vector.shape_cast %get3A_397 : vector<1x1024x128xf32> to vector<1024x128xf32>
      %bitcast_convert_type3A_399 = tpu.bitcast %get3A_398 : vector<1024x128xf32> -> vector<1024x128xi32>
      %shift_right_arithmetic3A_400 = arith.constant 31 : i32
      %shift_right_arithmetic3A_401 = vector.broadcast %shift_right_arithmetic3A_400 : i32 to vector<1024x128xi32>
      %shift_right_arithmetic3A_402 = arith.shrsi %bitcast_convert_type3A_399, %shift_right_arithmetic3A_401 : vector<1024x128xi32>
      %and3A_403 = arith.constant 2147483647 : i32
      %and3A_404 = vector.broadcast %and3A_403 : i32 to vector<1024x128xi32>
      %and3A_405 = arith.andi %shift_right_arithmetic3A_402, %and3A_404 : vector<1024x128xi32>
      %xor3A_406 = arith.xori %bitcast_convert_type3A_399, %and3A_405 : vector<1024x128xi32>
      %swap3A_407 = arith.constant 1 : index
      %swap3A_408 = arith.constant 0 : index
      %swap3A_409 = arith.constant 0 : index
      %swap3A_410 = vector.load %arg9[%swap3A_407, %swap3A_408, %swap3A_409] : memref<10x1024x128xi32, #tpu.memory_space<vmem>>, vector<1x1024x128xi32>
      %swap3A_411 = vector.shape_cast %swap3A_410 : vector<1x1024x128xi32> to vector<1024x128xi32>
      %swap3A_412 = vector.shape_cast %xor3A_406 : vector<1024x128xi32> to vector<1x1024x128xi32>
      tpu.vector_store %arg9[%swap3A_407, %swap3A_408, %swap3A_409], %swap3A_412 {strides = array<i32>} : memref<10x1024x128xi32, #tpu.memory_space<vmem>>, vector<1x1024x128xi32>,
      %get3A_413 = arith.constant 2 : index
      %get3A_414 = arith.constant 0 : index
      %get3A_415 = arith.constant 0 : index
      %get3A_416 = vector.load %arg8[%get3A_413, %get3A_414, %get3A_415] : memref<10x1024x128xf32, #tpu.memory_space<vmem>>, vector<1x1024x128xf32>
      %get3A_417 = vector.shape_cast %get3A_416 : vector<1x1024x128xf32> to vector<1024x128xf32>
      %bitcast_convert_type3A_418 = tpu.bitcast %get3A_417 : vector<1024x128xf32> -> vector<1024x128xi32>
      %shift_right_arithmetic3A_419 = arith.constant 31 : i32
      %shift_right_arithmetic3A_420 = vector.broadcast %shift_right_arithmetic3A_419 : i32 to vector<1024x128xi32>
      %shift_right_arithmetic3A_421 = arith.shrsi %bitcast_convert_type3A_418, %shift_right_arithmetic3A_420 : vector<1024x128xi32>
      %and3A_422 = arith.constant 2147483647 : i32
      %and3A_423 = vector.broadcast %and3A_422 : i32 to vector<1024x128xi32>
      %and3A_424 = arith.andi %shift_right_arithmetic3A_421, %and3A_423 : vector<1024x128xi32>
      %xor3A_425 = arith.xori %bitcast_convert_type3A_418, %and3A_424 : vector<1024x128xi32>
      %swap3A_426 = arith.constant 2 : index
      %swap3A_427 = arith.constant 0 : index
      %swap3A_428 = arith.constant 0 : index
      %swap3A_429 = vector.load %arg9[%swap3A_426, %swap3A_427, %swap3A_428] : memref<10x1024x128xi32, #tpu.memory_space<vmem>>, vector<1x1024x128xi32>
      %swap3A_430 = vector.shape_cast %swap3A_429 : vector<1x1024x128xi32> to vector<1024x128xi32>
      %swap3A_431 = vector.shape_cast %xor3A_425 : vector<1024x128xi32> to vector<1x1024x128xi32>
      tpu.vector_store %arg9[%swap3A_426, %swap3A_427, %swap3A_428], %swap3A_431 {strides = array<i32>} : memref<10x1024x128xi32, #tpu.memory_space<vmem>>, vector<1x1024x128xi32>,
      %get3A_432 = arith.constant 3 : index
      %get3A_433 = arith.constant 0 : index
      %get3A_434 = arith.constant 0 : index
      %get3A_435 = vector.load %arg8[%get3A_432, %get3A_433, %get3A_434] : memref<10x1024x128xf32, #tpu.memory_space<vmem>>, vector<1x1024x128xf32>
      %get3A_436 = vector.shape_cast %get3A_435 : vector<1x1024x128xf32> to vector<1024x128xf32>
      %bitcast_convert_type3A_437 = tpu.bitcast %get3A_436 : vector<1024x128xf32> -> vector<1024x128xi32>
      %shift_right_arithmetic3A_438 = arith.constant 31 : i32
      %shift_right_arithmetic3A_439 = vector.broadcast %shift_right_arithmetic3A_438 : i32 to vector<1024x128xi32>
      %shift_right_arithmetic3A_440 = arith.shrsi %bitcast_convert_type3A_437, %shift_right_arithmetic3A_439 : vector<1024x128xi32>
      %and3A_441 = arith.constant 2147483647 : i32
      %and3A_442 = vector.broadcast %and3A_441 : i32 to vector<1024x128xi32>
      %and3A_443 = arith.andi %shift_right_arithmetic3A_440, %and3A_442 : vector<1024x128xi32>
      %xor3A_444 = arith.xori %bitcast_convert_type3A_437, %and3A_443 : vector<1024x128xi32>
      %swap3A_445 = arith.constant 3 : index
      %swap3A_446 = arith.constant 0 : index
      %swap3A_447 = arith.constant 0 : index
      %swap3A_448 = vector.load %arg9[%swap3A_445, %swap3A_446, %swap3A_447] : memref<10x1024x128xi32, #tpu.memory_space<vmem>>, vector<1x1024x128xi32>
      %swap3A_449 = vector.shape_cast %swap3A_448 : vector<1x1024x128xi32> to vector<1024x128xi32>
      %swap3A_450 = vector.shape_cast %xor3A_444 : vector<1024x128xi32> to vector<1x1024x128xi32>
      tpu.vector_store %arg9[%swap3A_445, %swap3A_446, %swap3A_447], %swap3A_450 {strides = array<i32>} : memref<10x1024x128xi32, #tpu.memory_space<vmem>>, vector<1x1024x128xi32>,
      %get3A_451 = arith.constant 4 : index
      %get3A_452 = arith.constant 0 : index
      %get3A_453 = arith.constant 0 : index
      %get3A_454 = vector.load %arg8[%get3A_451, %get3A_452, %get3A_453] : memref<10x1024x128xf32, #tpu.memory_space<vmem>>, vector<1x1024x128xf32>
      %get3A_455 = vector.shape_cast %get3A_454 : vector<1x1024x128xf32> to vector<1024x128xf32>
      %bitcast_convert_type3A_456 = tpu.bitcast %get3A_455 : vector<1024x128xf32> -> vector<1024x128xi32>
      %shift_right_arithmetic3A_457 = arith.constant 31 : i32
      %shift_right_arithmetic3A_458 = vector.broadcast %shift_right_arithmetic3A_457 : i32 to vector<1024x128xi32>
      %shift_right_arithmetic3A_459 = arith.shrsi %bitcast_convert_type3A_456, %shift_right_arithmetic3A_458 : vector<1024x128xi32>
      %and3A_460 = arith.constant 2147483647 : i32
      %and3A_461 = vector.broadcast %and3A_460 : i32 to vector<1024x128xi32>
      %and3A_462 = arith.andi %shift_right_arithmetic3A_459, %and3A_461 : vector<1024x128xi32>
      %xor3A_463 = arith.xori %bitcast_convert_type3A_456, %and3A_462 : vector<1024x128xi32>
      %swap3A_464 = arith.constant 4 : index
      %swap3A_465 = arith.constant 0 : index
      %swap3A_466 = arith.constant 0 : index
      %swap3A_467 = vector.load %arg9[%swap3A_464, %swap3A_465, %swap3A_466] : memref<10x1024x128xi32, #tpu.memory_space<vmem>>, vector<1x1024x128xi32>
      %swap3A_468 = vector.shape_cast %swap3A_467 : vector<1x1024x128xi32> to vector<1024x128xi32>
      %swap3A_469 = vector.shape_cast %xor3A_463 : vector<1024x128xi32> to vector<1x1024x128xi32>
      tpu.vector_store %arg9[%swap3A_464, %swap3A_465, %swap3A_466], %swap3A_469 {strides = array<i32>} : memref<10x1024x128xi32, #tpu.memory_space<vmem>>, vector<1x1024x128xi32>,
      %get3A_470 = arith.constant 5 : index
      %get3A_471 = arith.constant 0 : index
      %get3A_472 = arith.constant 0 : index
      %get3A_473 = vector.load %arg8[%get3A_470, %get3A_471, %get3A_472] : memref<10x1024x128xf32, #tpu.memory_space<vmem>>, vector<1x1024x128xf32>
      %get3A_474 = vector.shape_cast %get3A_473 : vector<1x1024x128xf32> to vector<1024x128xf32>
      %bitcast_convert_type3A_475 = tpu.bitcast %get3A_474 : vector<1024x128xf32> -> vector<1024x128xi32>
      %shift_right_arithmetic3A_476 = arith.constant 31 : i32
      %shift_right_arithmetic3A_477 = vector.broadcast %shift_right_arithmetic3A_476 : i32 to vector<1024x128xi32>
      %shift_right_arithmetic3A_478 = arith.shrsi %bitcast_convert_type3A_475, %shift_right_arithmetic3A_477 : vector<1024x128xi32>
      %and3A_479 = arith.constant 2147483647 : i32
      %and3A_480 = vector.broadcast %and3A_479 : i32 to vector<1024x128xi32>
      %and3A_481 = arith.andi %shift_right_arithmetic3A_478, %and3A_480 : vector<1024x128xi32>
      %xor3A_482 = arith.xori %bitcast_convert_type3A_475, %and3A_481 : vector<1024x128xi32>
      %swap3A_483 = arith.constant 5 : index
      %swap3A_484 = arith.constant 0 : index
      %swap3A_485 = arith.constant 0 : index
      %swap3A_486 = vector.load %arg9[%swap3A_483, %swap3A_484, %swap3A_485] : memref<10x1024x128xi32, #tpu.memory_space<vmem>>, vector<1x1024x128xi32>
      %swap3A_487 = vector.shape_cast %swap3A_486 : vector<1x1024x128xi32> to vector<1024x128xi32>
      %swap3A_488 = vector.shape_cast %xor3A_482 : vector<1024x128xi32> to vector<1x1024x128xi32>
      tpu.vector_store %arg9[%swap3A_483, %swap3A_484, %swap3A_485], %swap3A_488 {strides = array<i32>} : memref<10x1024x128xi32, #tpu.memory_space<vmem>>, vector<1x1024x128xi32>,
      %get3A_489 = arith.constant 6 : index
      %get3A_490 = arith.constant 0 : index
      %get3A_491 = arith.constant 0 : index
      %get3A_492 = vector.load %arg8[%get3A_489, %get3A_490, %get3A_491] : memref<10x1024x128xf32, #tpu.memory_space<vmem>>, vector<1x1024x128xf32>
      %get3A_493 = vector.shape_cast %get3A_492 : vector<1x1024x128xf32> to vector<1024x128xf32>
      %bitcast_convert_type3A_494 = tpu.bitcast %get3A_493 : vector<1024x128xf32> -> vector<1024x128xi32>
      %shift_right_arithmetic3A_495 = arith.constant 31 : i32
      %shift_right_arithmetic3A_496 = vector.broadcast %shift_right_arithmetic3A_495 : i32 to vector<1024x128xi32>
      %shift_right_arithmetic3A_497 = arith.shrsi %bitcast_convert_type3A_494, %shift_right_arithmetic3A_496 : vector<1024x128xi32>
      %and3A_498 = arith.constant 2147483647 : i32
      %and3A_499 = vector.broadcast %and3A_498 : i32 to vector<1024x128xi32>
      %and3A_500 = arith.andi %shift_right_arithmetic3A_497, %and3A_499 : vector<1024x128xi32>
      %xor3A_501 = arith.xori %bitcast_convert_type3A_494, %and3A_500 : vector<1024x128xi32>
      %swap3A_502 = arith.constant 6 : index
      %swap3A_503 = arith.constant 0 : index
      %swap3A_504 = arith.constant 0 : index
      %swap3A_505 = vector.load %arg9[%swap3A_502, %swap3A_503, %swap3A_504] : memref<10x1024x128xi32, #tpu.memory_space<vmem>>, vector<1x1024x128xi32>
      %swap3A_506 = vector.shape_cast %swap3A_505 : vector<1x1024x128xi32> to vector<1024x128xi32>
      %swap3A_507 = vector.shape_cast %xor3A_501 : vector<1024x128xi32> to vector<1x1024x128xi32>
      tpu.vector_store %arg9[%swap3A_502, %swap3A_503, %swap3A_504], %swap3A_507 {strides = array<i32>} : memref<10x1024x128xi32, #tpu.memory_space<vmem>>, vector<1x1024x128xi32>,
      %get3A_508 = arith.constant 7 : index
      %get3A_509 = arith.constant 0 : index
      %get3A_510 = arith.constant 0 : index
      %get3A_511 = vector.load %arg8[%get3A_508, %get3A_509, %get3A_510] : memref<10x1024x128xf32, #tpu.memory_space<vmem>>, vector<1x1024x128xf32>
      %get3A_512 = vector.shape_cast %get3A_511 : vector<1x1024x128xf32> to vector<1024x128xf32>
      %bitcast_convert_type3A_513 = tpu.bitcast %get3A_512 : vector<1024x128xf32> -> vector<1024x128xi32>
      %shift_right_arithmetic3A_514 = arith.constant 31 : i32
      %shift_right_arithmetic3A_515 = vector.broadcast %shift_right_arithmetic3A_514 : i32 to vector<1024x128xi32>
      %shift_right_arithmetic3A_516 = arith.shrsi %bitcast_convert_type3A_513, %shift_right_arithmetic3A_515 : vector<1024x128xi32>
      %and3A_517 = arith.constant 2147483647 : i32
      %and3A_518 = vector.broadcast %and3A_517 : i32 to vector<1024x128xi32>
      %and3A_519 = arith.andi %shift_right_arithmetic3A_516, %and3A_518 : vector<1024x128xi32>
      %xor3A_520 = arith.xori %bitcast_convert_type3A_513, %and3A_519 : vector<1024x128xi32>
      %swap3A_521 = arith.constant 7 : index
      %swap3A_522 = arith.constant 0 : index
      %swap3A_523 = arith.constant 0 : index
      %swap3A_524 = vector.load %arg9[%swap3A_521, %swap3A_522, %swap3A_523] : memref<10x1024x128xi32, #tpu.memory_space<vmem>>, vector<1x1024x128xi32>
      %swap3A_525 = vector.shape_cast %swap3A_524 : vector<1x1024x128xi32> to vector<1024x128xi32>
      %swap3A_526 = vector.shape_cast %xor3A_520 : vector<1024x128xi32> to vector<1x1024x128xi32>
      tpu.vector_store %arg9[%swap3A_521, %swap3A_522, %swap3A_523], %swap3A_526 {strides = array<i32>} : memref<10x1024x128xi32, #tpu.memory_space<vmem>>, vector<1x1024x128xi32>,
      %get3A_527 = arith.constant 8 : index
      %get3A_528 = arith.constant 0 : index
      %get3A_529 = arith.constant 0 : index
      %get3A_530 = vector.load %arg8[%get3A_527, %get3A_528, %get3A_529] : memref<10x1024x128xf32, #tpu.memory_space<vmem>>, vector<1x1024x128xf32>
      %get3A_531 = vector.shape_cast %get3A_530 : vector<1x1024x128xf32> to vector<1024x128xf32>
      %bitcast_convert_type3A_532 = tpu.bitcast %get3A_531 : vector<1024x128xf32> -> vector<1024x128xi32>
      %shift_right_arithmetic3A_533 = arith.constant 31 : i32
      %shift_right_arithmetic3A_534 = vector.broadcast %shift_right_arithmetic3A_533 : i32 to vector<1024x128xi32>
      %shift_right_arithmetic3A_535 = arith.shrsi %bitcast_convert_type3A_532, %shift_right_arithmetic3A_534 : vector<1024x128xi32>
      %and3A_536 = arith.constant 2147483647 : i32
      %and3A_537 = vector.broadcast %and3A_536 : i32 to vector<1024x128xi32>
      %and3A_538 = arith.andi %shift_right_arithmetic3A_535, %and3A_537 : vector<1024x128xi32>
      %xor3A_539 = arith.xori %bitcast_convert_type3A_532, %and3A_538 : vector<1024x128xi32>
      %swap3A_540 = arith.constant 8 : index
      %swap3A_541 = arith.constant 0 : index
      %swap3A_542 = arith.constant 0 : index
      %swap3A_543 = vector.load %arg9[%swap3A_540, %swap3A_541, %swap3A_542] : memref<10x1024x128xi32, #tpu.memory_space<vmem>>, vector<1x1024x128xi32>
      %swap3A_544 = vector.shape_cast %swap3A_543 : vector<1x1024x128xi32> to vector<1024x128xi32>
      %swap3A_545 = vector.shape_cast %xor3A_539 : vector<1024x128xi32> to vector<1x1024x128xi32>
      tpu.vector_store %arg9[%swap3A_540, %swap3A_541, %swap3A_542], %swap3A_545 {strides = array<i32>} : memref<10x1024x128xi32, #tpu.memory_space<vmem>>, vector<1x1024x128xi32>,
      %get3A_546 = arith.constant 9 : index
      %get3A_547 = arith.constant 0 : index
      %get3A_548 = arith.constant 0 : index
      %get3A_549 = vector.load %arg8[%get3A_546, %get3A_547, %get3A_548] : memref<10x1024x128xf32, #tpu.memory_space<vmem>>, vector<1x1024x128xf32>
      %get3A_550 = vector.shape_cast %get3A_549 : vector<1x1024x128xf32> to vector<1024x128xf32>
      %bitcast_convert_type3A_551 = tpu.bitcast %get3A_550 : vector<1024x128xf32> -> vector<1024x128xi32>
      %shift_right_arithmetic3A_552 = arith.constant 31 : i32
      %shift_right_arithmetic3A_553 = vector.broadcast %shift_right_arithmetic3A_552 : i32 to vector<1024x128xi32>
      %shift_right_arithmetic3A_554 = arith.shrsi %bitcast_convert_type3A_551, %shift_right_arithmetic3A_553 : vector<1024x128xi32>
      %and3A_555 = arith.constant 2147483647 : i32
      %and3A_556 = vector.broadcast %and3A_555 : i32 to vector<1024x128xi32>
      %and3A_557 = arith.andi %shift_right_arithmetic3A_554, %and3A_556 : vector<1024x128xi32>
      %xor3A_558 = arith.xori %bitcast_convert_type3A_551, %and3A_557 : vector<1024x128xi32>
      %swap3A_559 = arith.constant 9 : index
      %swap3A_560 = arith.constant 0 : index
      %swap3A_561 = arith.constant 0 : index
      %swap3A_562 = vector.load %arg9[%swap3A_559, %swap3A_560, %swap3A_561] : memref<10x1024x128xi32, #tpu.memory_space<vmem>>, vector<1x1024x128xi32>
      %swap3A_563 = vector.shape_cast %swap3A_562 : vector<1x1024x128xi32> to vector<1024x128xi32>
      %swap3A_564 = vector.shape_cast %xor3A_558 : vector<1024x128xi32> to vector<1x1024x128xi32>
      tpu.vector_store %arg9[%swap3A_559, %swap3A_560, %swap3A_561], %swap3A_564 {strides = array<i32>} : memref<10x1024x128xi32, #tpu.memory_space<vmem>>, vector<1x1024x128xi32>,
      %broadcast_in_dim3A = arith.constant 0 : i32
      %broadcast_in_dim3A_565 = vector.broadcast %broadcast_in_dim3A : i32 to vector<1024xi32>
      %scan3A = arith.constant -2147483648 : i32
      %scan3A_566 = arith.constant 0 : i32
      %scan3A_567 = arith.constant 32 : i32
      %scan3A_568 = arith.addi %scan3A_566, %scan3A_567 : i32
      %scan3A_569 = arith.constant 1 : i32
      %scan3A_570 = scf.for %scan3A_604 = %scan3A_566 to %scan3A_568 step %scan3A_569 iter_args(%scan3A_605 = %broadcast_in_dim3A_565) -> (vector<1024xi32>)  : i32 {
        %sub3A_606 = arith.constant 31 : i32
        %sub3A_607 = arith.subi %sub3A_606, %scan3A_604 : i32
        %shift_left3A = arith.constant 1 : i32
        %shift_left3A_608 = arith.shli %shift_left3A, %sub3A_607 : i32
        %or3A = vector.broadcast %shift_left3A_608 : i32 to vector<1024xi32>
        %or3A_609 = arith.ori %scan3A_605, %or3A : vector<1024xi32>
        %xor3A_610 = vector.broadcast %scan3A : i32 to vector<1024xi32>
        %xor3A_611 = arith.xori %or3A_609, %xor3A_610 : vector<1024xi32>
        %broadcast_in_dim3A_612 = vector.shape_cast %xor3A_611 : vector<1024xi32> to vector<1024x1xi32>
        %broadcast_in_dim3A_613 = arith.constant 0 : i32
        %broadcast_in_dim3A_614 = vector.broadcast %broadcast_in_dim3A_613 : i32 to vector<1024xi32>
        %get3A_615 = arith.constant 0 : index
        %get3A_616 = arith.constant 0 : index
        %get3A_617 = arith.constant 0 : index
        %get3A_618 = vector.load %arg9[%get3A_615, %get3A_616, %get3A_617] : memref<10x1024x128xi32, #tpu.memory_space<vmem>>, vector<1x1024x128xi32>
        %get3A_619 = vector.shape_cast %get3A_618 : vector<1x1024x128xi32> to vector<1024x128xi32>
        %ge3A = vector.broadcast %broadcast_in_dim3A_612 : vector<1024x1xi32> to vector<1024x128xi32>
        %ge3A_620 = arith.cmpi sge, %get3A_619, %ge3A : vector<1024x128xi32>
        %convert_element_type3A_621 = arith.extui %ge3A_620 : vector<1024x128xi1> to vector<1024x128xi32>
        %reduce_sum3A_622 = arith.constant dense<0> : vector<1024xi32>
        %reduce_sum3A_623 = vector.multi_reduction <add>, %convert_element_type3A_621, %reduce_sum3A_622 [1] : vector<1024x128xi32> to vector<1024xi32>
        %add3A_624 = arith.addi %broadcast_in_dim3A_614, %reduce_sum3A_623 : vector<1024xi32>
        %get3A_625 = arith.constant 1 : index
        %get3A_626 = arith.constant 0 : index
        %get3A_627 = arith.constant 0 : index
        %get3A_628 = vector.load %arg9[%get3A_625, %get3A_626, %get3A_627] : memref<10x1024x128xi32, #tpu.memory_space<vmem>>, vector<1x1024x128xi32>
        %get3A_629 = vector.shape_cast %get3A_628 : vector<1x1024x128xi32> to vector<1024x128xi32>
        %ge3A_630 = vector.broadcast %broadcast_in_dim3A_612 : vector<1024x1xi32> to vector<1024x128xi32>
        %ge3A_631 = arith.cmpi sge, %get3A_629, %ge3A_630 : vector<1024x128xi32>
        %convert_element_type3A_632 = arith.extui %ge3A_631 : vector<1024x128xi1> to vector<1024x128xi32>
        %reduce_sum3A_633 = arith.constant dense<0> : vector<1024xi32>
        %reduce_sum3A_634 = vector.multi_reduction <add>, %convert_element_type3A_632, %reduce_sum3A_633 [1] : vector<1024x128xi32> to vector<1024xi32>
        %add3A_635 = arith.addi %add3A_624, %reduce_sum3A_634 : vector<1024xi32>
        %get3A_636 = arith.constant 2 : index
        %get3A_637 = arith.constant 0 : index
        %get3A_638 = arith.constant 0 : index
        %get3A_639 = vector.load %arg9[%get3A_636, %get3A_637, %get3A_638] : memref<10x1024x128xi32, #tpu.memory_space<vmem>>, vector<1x1024x128xi32>
        %get3A_640 = vector.shape_cast %get3A_639 : vector<1x1024x128xi32> to vector<1024x128xi32>
        %ge3A_641 = vector.broadcast %broadcast_in_dim3A_612 : vector<1024x1xi32> to vector<1024x128xi32>
        %ge3A_642 = arith.cmpi sge, %get3A_640, %ge3A_641 : vector<1024x128xi32>
        %convert_element_type3A_643 = arith.extui %ge3A_642 : vector<1024x128xi1> to vector<1024x128xi32>
        %reduce_sum3A_644 = arith.constant dense<0> : vector<1024xi32>
        %reduce_sum3A_645 = vector.multi_reduction <add>, %convert_element_type3A_643, %reduce_sum3A_644 [1] : vector<1024x128xi32> to vector<1024xi32>
        %add3A_646 = arith.addi %add3A_635, %reduce_sum3A_645 : vector<1024xi32>
        %get3A_647 = arith.constant 3 : index
        %get3A_648 = arith.constant 0 : index
        %get3A_649 = arith.constant 0 : index
        %get3A_650 = vector.load %arg9[%get3A_647, %get3A_648, %get3A_649] : memref<10x1024x128xi32, #tpu.memory_space<vmem>>, vector<1x1024x128xi32>
        %get3A_651 = vector.shape_cast %get3A_650 : vector<1x1024x128xi32> to vector<1024x128xi32>
        %ge3A_652 = vector.broadcast %broadcast_in_dim3A_612 : vector<1024x1xi32> to vector<1024x128xi32>
        %ge3A_653 = arith.cmpi sge, %get3A_651, %ge3A_652 : vector<1024x128xi32>
        %convert_element_type3A_654 = arith.extui %ge3A_653 : vector<1024x128xi1> to vector<1024x128xi32>
        %reduce_sum3A_655 = arith.constant dense<0> : vector<1024xi32>
        %reduce_sum3A_656 = vector.multi_reduction <add>, %convert_element_type3A_654, %reduce_sum3A_655 [1] : vector<1024x128xi32> to vector<1024xi32>
        %add3A_657 = arith.addi %add3A_646, %reduce_sum3A_656 : vector<1024xi32>
        %get3A_658 = arith.constant 4 : index
        %get3A_659 = arith.constant 0 : index
        %get3A_660 = arith.constant 0 : index
        %get3A_661 = vector.load %arg9[%get3A_658, %get3A_659, %get3A_660] : memref<10x1024x128xi32, #tpu.memory_space<vmem>>, vector<1x1024x128xi32>
        %get3A_662 = vector.shape_cast %get3A_661 : vector<1x1024x128xi32> to vector<1024x128xi32>
        %ge3A_663 = vector.broadcast %broadcast_in_dim3A_612 : vector<1024x1xi32> to vector<1024x128xi32>
        %ge3A_664 = arith.cmpi sge, %get3A_662, %ge3A_663 : vector<1024x128xi32>
        %convert_element_type3A_665 = arith.extui %ge3A_664 : vector<1024x128xi1> to vector<1024x128xi32>
        %reduce_sum3A_666 = arith.constant dense<0> : vector<1024xi32>
        %reduce_sum3A_667 = vector.multi_reduction <add>, %convert_element_type3A_665, %reduce_sum3A_666 [1] : vector<1024x128xi32> to vector<1024xi32>
        %add3A_668 = arith.addi %add3A_657, %reduce_sum3A_667 : vector<1024xi32>
        %get3A_669 = arith.constant 5 : index
        %get3A_670 = arith.constant 0 : index
        %get3A_671 = arith.constant 0 : index
        %get3A_672 = vector.load %arg9[%get3A_669, %get3A_670, %get3A_671] : memref<10x1024x128xi32, #tpu.memory_space<vmem>>, vector<1x1024x128xi32>
        %get3A_673 = vector.shape_cast %get3A_672 : vector<1x1024x128xi32> to vector<1024x128xi32>
        %ge3A_674 = vector.broadcast %broadcast_in_dim3A_612 : vector<1024x1xi32> to vector<1024x128xi32>
        %ge3A_675 = arith.cmpi sge, %get3A_673, %ge3A_674 : vector<1024x128xi32>
        %convert_element_type3A_676 = arith.extui %ge3A_675 : vector<1024x128xi1> to vector<1024x128xi32>
        %reduce_sum3A_677 = arith.constant dense<0> : vector<1024xi32>
        %reduce_sum3A_678 = vector.multi_reduction <add>, %convert_element_type3A_676, %reduce_sum3A_677 [1] : vector<1024x128xi32> to vector<1024xi32>
        %add3A_679 = arith.addi %add3A_668, %reduce_sum3A_678 : vector<1024xi32>
        %get3A_680 = arith.constant 6 : index
        %get3A_681 = arith.constant 0 : index
        %get3A_682 = arith.constant 0 : index
        %get3A_683 = vector.load %arg9[%get3A_680, %get3A_681, %get3A_682] : memref<10x1024x128xi32, #tpu.memory_space<vmem>>, vector<1x1024x128xi32>
        %get3A_684 = vector.shape_cast %get3A_683 : vector<1x1024x128xi32> to vector<1024x128xi32>
        %ge3A_685 = vector.broadcast %broadcast_in_dim3A_612 : vector<1024x1xi32> to vector<1024x128xi32>
        %ge3A_686 = arith.cmpi sge, %get3A_684, %ge3A_685 : vector<1024x128xi32>
        %convert_element_type3A_687 = arith.extui %ge3A_686 : vector<1024x128xi1> to vector<1024x128xi32>
        %reduce_sum3A_688 = arith.constant dense<0> : vector<1024xi32>
        %reduce_sum3A_689 = vector.multi_reduction <add>, %convert_element_type3A_687, %reduce_sum3A_688 [1] : vector<1024x128xi32> to vector<1024xi32>
        %add3A_690 = arith.addi %add3A_679, %reduce_sum3A_689 : vector<1024xi32>
        %get3A_691 = arith.constant 7 : index
        %get3A_692 = arith.constant 0 : index
        %get3A_693 = arith.constant 0 : index
        %get3A_694 = vector.load %arg9[%get3A_691, %get3A_692, %get3A_693] : memref<10x1024x128xi32, #tpu.memory_space<vmem>>, vector<1x1024x128xi32>
        %get3A_695 = vector.shape_cast %get3A_694 : vector<1x1024x128xi32> to vector<1024x128xi32>
        %ge3A_696 = vector.broadcast %broadcast_in_dim3A_612 : vector<1024x1xi32> to vector<1024x128xi32>
        %ge3A_697 = arith.cmpi sge, %get3A_695, %ge3A_696 : vector<1024x128xi32>
        %convert_element_type3A_698 = arith.extui %ge3A_697 : vector<1024x128xi1> to vector<1024x128xi32>
        %reduce_sum3A_699 = arith.constant dense<0> : vector<1024xi32>
        %reduce_sum3A_700 = vector.multi_reduction <add>, %convert_element_type3A_698, %reduce_sum3A_699 [1] : vector<1024x128xi32> to vector<1024xi32>
        %add3A_701 = arith.addi %add3A_690, %reduce_sum3A_700 : vector<1024xi32>
        %get3A_702 = arith.constant 8 : index
        %get3A_703 = arith.constant 0 : index
        %get3A_704 = arith.constant 0 : index
        %get3A_705 = vector.load %arg9[%get3A_702, %get3A_703, %get3A_704] : memref<10x1024x128xi32, #tpu.memory_space<vmem>>, vector<1x1024x128xi32>
        %get3A_706 = vector.shape_cast %get3A_705 : vector<1x1024x128xi32> to vector<1024x128xi32>
        %ge3A_707 = vector.broadcast %broadcast_in_dim3A_612 : vector<1024x1xi32> to vector<1024x128xi32>
        %ge3A_708 = arith.cmpi sge, %get3A_706, %ge3A_707 : vector<1024x128xi32>
        %convert_element_type3A_709 = arith.extui %ge3A_708 : vector<1024x128xi1> to vector<1024x128xi32>
        %reduce_sum3A_710 = arith.constant dense<0> : vector<1024xi32>
        %reduce_sum3A_711 = vector.multi_reduction <add>, %convert_element_type3A_709, %reduce_sum3A_710 [1] : vector<1024x128xi32> to vector<1024xi32>
        %add3A_712 = arith.addi %add3A_701, %reduce_sum3A_711 : vector<1024xi32>
        %get3A_713 = arith.constant 9 : index
        %get3A_714 = arith.constant 0 : index
        %get3A_715 = arith.constant 0 : index
        %get3A_716 = vector.load %arg9[%get3A_713, %get3A_714, %get3A_715] : memref<10x1024x128xi32, #tpu.memory_space<vmem>>, vector<1x1024x128xi32>
        %get3A_717 = vector.shape_cast %get3A_716 : vector<1x1024x128xi32> to vector<1024x128xi32>
        %ge3A_718 = vector.broadcast %broadcast_in_dim3A_612 : vector<1024x1xi32> to vector<1024x128xi32>
        %ge3A_719 = arith.cmpi sge, %get3A_717, %ge3A_718 : vector<1024x128xi32>
        %convert_element_type3A_720 = arith.extui %ge3A_719 : vector<1024x128xi1> to vector<1024x128xi32>
        %reduce_sum3A_721 = arith.constant dense<0> : vector<1024xi32>
        %reduce_sum3A_722 = vector.multi_reduction <add>, %convert_element_type3A_720, %reduce_sum3A_721 [1] : vector<1024x128xi32> to vector<1024xi32>
        %add3A_723 = arith.addi %add3A_712, %reduce_sum3A_722 : vector<1024xi32>
        %ge3A_724 = arith.constant 10 : i32
        %ge3A_725 = vector.broadcast %ge3A_724 : i32 to vector<1024xi32>
        %ge3A_726 = arith.cmpi sge, %add3A_723, %ge3A_725 : vector<1024xi32>
        %select_n3A_727 = arith.select %ge3A_726, %or3A_609, %scan3A_605 : vector<1024xi1>, vector<1024xi32>
        scf.yield %select_n3A_727 : vector<1024xi32>
      }
      %scan3A_571 = arith.constant 32 : i32
      %xor3A_572 = arith.constant -2147483648 : i32
      %xor3A_573 = vector.broadcast %xor3A_572 : i32 to vector<1024xi32>
      %xor3A_574 = arith.xori %scan3A_570, %xor3A_573 : vector<1024xi32>
      %shift_right_arithmetic3A_575 = arith.constant 31 : i32
      %shift_right_arithmetic3A_576 = vector.broadcast %shift_right_arithmetic3A_575 : i32 to vector<1024xi32>
      %shift_right_arithmetic3A_577 = arith.shrsi %xor3A_574, %shift_right_arithmetic3A_576 : vector<1024xi32>
      %and3A_578 = arith.constant 2147483647 : i32
      %and3A_579 = vector.broadcast %and3A_578 : i32 to vector<1024xi32>
      %and3A_580 = arith.andi %shift_right_arithmetic3A_577, %and3A_579 : vector<1024xi32>
      %xor3A_581 = arith.xori %xor3A_574, %and3A_580 : vector<1024xi32>
      %bitcast_convert_type3A_582 = tpu.bitcast %xor3A_581 : vector<1024xi32> -> vector<1024xf32>
      %get3A_583 = arith.constant 0 : index
      %get3A_584 = arith.constant 0 : index
      %get3A_585 = vector.load %arg3[%get3A_583, %get3A_584] : memref<1024x32xf32, #tpu.memory_space<vmem>>, vector<1024x32xf32>
      %get3A_586 = arith.constant 0 : index
      %get3A_587 = arith.constant 0 : index
      %get3A_588 = vector.load %arg5[%get3A_586, %get3A_587] : memref<1024x32xf32, #tpu.memory_space<vmem>>, vector<1024x32xf32>
      %mul3A = arith.mulf %get3A_585, %get3A_588 : vector<1024x32xf32>
      %reduce_sum3A = arith.constant dense<0.000000e+00> : vector<1024xf32>
      %reduce_sum3A_589 = vector.multi_reduction <add>, %mul3A, %reduce_sum3A [1] : vector<1024x32xf32> to vector<1024xf32>
      %sub3A = arith.subf %bitcast_convert_type3A_582, %reduce_sum3A_589 : vector<1024xf32>
      %lt3A = arith.constant 0.000000e+00 : f32
      %lt3A_590 = vector.broadcast %lt3A : f32 to vector<1024xf32>
      %lt3A_591 = arith.cmpf olt, %sub3A, %lt3A_590 : vector<1024xf32>
      %exp3A = math.exp %sub3A : vector<1024xf32>
      %sub3A_592 = arith.constant 1.000000e+00 : f32
      %sub3A_593 = vector.broadcast %sub3A_592 : f32 to vector<1024xf32>
      %sub3A_594 = arith.subf %exp3A, %sub3A_593 : vector<1024xf32>
      %select_n3A = arith.select %lt3A_591, %sub3A_594, %sub3A : vector<1024xi1>, vector<1024xf32>
      %reduce_sum3A_595 = vector.shape_cast %select_n3A : vector<1024xf32> to vector<1x1024xf32>
      %reduce_sum3A_596 = arith.constant dense<0.000000e+00> : vector<1xf32>
      %reduce_sum3A_597 = vector.multi_reduction <add>, %reduce_sum3A_595, %reduce_sum3A_596 [1] : vector<1x1024xf32> to vector<1xf32>
      %reduce_sum3A_598 = vector.shape_cast %reduce_sum3A_597 : vector<1xf32> to vector<1x1xf32>
      %reduce_sum3A_599 = vector.extract %reduce_sum3A_598[0, 0] : f32 from vector<1x1xf32>
      %broadcast_in_dim3A_600 = vector.broadcast %reduce_sum3A_599 : f32 to vector<1x1xf32>
      %swap3A_601 = arith.constant 0 : index
      %swap3A_602 = arith.constant 0 : index
      %swap3A_603 = vector.load %arg6[%swap3A_601, %swap3A_602] : memref<1x1xf32, #tpu.memory_space<vmem>>, vector<1x1xf32>
      tpu.vector_store %arg6[%swap3A_601, %swap3A_602], %broadcast_in_dim3A_600 {strides = array<i32>} : memref<1x1xf32, #tpu.memory_space<vmem>>, vector<1x1xf32>,
    } else {
    }
    return
  }
  func.func @transform_0(%arg0: i32, %arg1: memref<20480xi32, #tpu.memory_space<smem>>, %arg2: memref<50xi32, #tpu.memory_space<smem>>) -> (i32, i32) {
    %c0_i32 = arith.constant 0 : i32
    %c0_i32_0 = arith.constant 0 : i32
    %c0_i32_1 = arith.constant 0 : i32
    return %c0_i32, %c0_i32_0 : i32, i32
  }
  func.func @transform_1(%arg0: i32, %arg1: memref<20480xi32, #tpu.memory_space<smem>>, %arg2: memref<50xi32, #tpu.memory_space<smem>>) -> (i32, i32) {
    %c0_i32 = arith.constant 0 : i32
    %c0_i32_0 = arith.constant 0 : i32
    return %arg0, %c0_i32 : i32, i32
  }
  func.func @transform_2(%arg0: i32, %arg1: memref<20480xi32, #tpu.memory_space<smem>>, %arg2: memref<50xi32, #tpu.memory_space<smem>>) -> (i32, i32) {
    %c0_i32 = arith.constant 0 : i32
    %c0_i32_0 = arith.constant 0 : i32
    %c0_i32_1 = arith.constant 0 : i32
    return %c0_i32, %c0_i32_0 : i32, i32
  }
  func.func @transform_3(%arg0: i32, %arg1: memref<20480xi32, #tpu.memory_space<smem>>, %arg2: memref<50xi32, #tpu.memory_space<smem>>) -> (i32, i32) {
    %c0_i32 = arith.constant 0 : i32
    %c0_i32_0 = arith.constant 0 : i32
    %c0_i32_1 = arith.constant 0 : i32
    return %c0_i32, %c0_i32_0 : i32, i32
  }
}

</mosaic_0001>

<sc_bundles>
// kernel: kernel.4.cloned.1.call-start
scs
__scs_entry_jumppad:
0x0: {  	(pc) =	sbr.rel $0x88, $3  }
0x1: {  	(tag) =	ssettag $0x0;
	lr =	simm.s32 $0x1  }
0x2: {  	[smem:$0x3F9C] =	sst lr;
	_ =	strace $0xD0000000  }
0x3: {  	_ = 	snop  }
0x4: {  	_ = 	snop  }
0x5: {  	_ = 	snop  }
0x6: {  	_ = 	snop  }
0x7: {  	_ = 	snop  }
__scs_overlays_trampoline_lowered:
0x8: {  	[smem:$0x3FAB] =	sst s0  }
0x9: {  	[smem:$0x3FAC] =	sst s1  }
0xa: {  	[smem:$0x3FAD] =	sst s2  }
0xb: {  	[smem:$0x3FAE] =	sst s3  }
0xc: {  	[smem:$0x3FAF] =	sst s4  }
0xd: {  	[smem:$0x3FB0] =	sst s5  }
0xe: {  	[smem:$0x3FB1] =	sst s6  }
0xf: {  	[smem:$0x3FB2] =	sst s7  }
0x10: {  	[smem:$0x3FB3] =	sst s8  }
0x11: {  	[smem:$0x3FB4] =	sst s9;
	s0 =	simm.s32 @!p0 $0x0  }
0x12: {  	s1 =	sld [smem:$0x3F9A];
	s0 =	simm.s32 @p0 $0x1  }
0x13: {  	[smem:$0x3FB5] =	sst s0;
	s0 =	simm.s32 @!p1 $0x0  }
0x14: {  	s2 =	sld [smem:$0x3F99];
	s0 =	simm.s32 @p1 $0x1  }
0x15: {  	[smem:$0x3FB6] =	sst s0;
	s0 =	simm.s32 @!p2 $0x0  }
0x16: {  	s3 =	sld [smem:$0x3FDB];
	s0 =	simm.s32 @p2 $0x1  }
0x17: {  	s4 =	simm.s32 $0x1BF5;
	[smem:$0x3FB8] =	sst s0  }
0x18: {  	s0 =	sld [smem:$0x3F9B];
	_ =	swait.ge [sflag:s4], $0x0  }
0x19: {  	s7 =	sld [smem:$0x3F9C]  }
0x1a: {  	s8 =	sadd.s32 $0xFFFFE003, lr  }
0x1b: {  	s9 =	sadd.s32 $0xFFFFFEF7, lr;
	s5 =	simm.s32 $0xFFFFFFFF;
	p2 =	slt.u32 s8, $0xFFFFF086  }
0x1c: {  	p1 =	slt.u32 s9, $0xF7A;
	s5 =	simm.s32 @!p2 $0x0  }
0x1d: {  	s5 =	simm.s32 @p1 $0x1;
	p0 =	seq.s32 s7, s2  }
0x1e: {  	s7 =	smul.u32 @!p0 $0xF7A, s2;
	p2 =	seq.s32 @!p0 s5, $0x0  }
0x1f: {  	s9 =	smul.u32 $0xF7A, s1;
	s8 =	simm.s32 @!p0 $0x1BF5;
	p2 =	por !p2, p0  }
0x20: {  	[sflag:s8] =	ssyncset.s32 @!p0 $0xFFFFF086;
	s6 =	sadd.s32 @!p0 s3, s7;
	s7 =	simm.s32 @!p0 $0x108  }
0x21: {  	s3 =	sadd.s32 s3, s9;
	s6 =	sadd.s32 @!p0 $0x88, s6;
	s7 =	simm.s32 @p2 $0x1082  }
0x22: {  	[simem:s7], [sflag:s8] =	dma.local @!p0 [hbm:s6], $0xF7A  }
0x23: {  	s9 =	sor.u32 $0xD0000000, s2;
	s6 =	simm.s32 $0x108;
	_ =	swait.ge @!p0 [sflag:s8], $0x0  }
0x24: {  	s3 =	sadd.s32 $0x88, s3;
	s6 =	simm.s32 @!p1 $0x1082;
	[sflag:s4] =	ssyncset.s32 $0xFFFFF086  }
0x25: {  	[simem:s6], [sflag:s4] =	dma.local [hbm:s3], $0xF7A  }
0x26: {  	[smem:$0x3F9C] =	sst s1;
	(tag) =	ssettag s2;
	_ =	strace s9  }
0x27: {  	s1 =	sld [smem:$0x3FAC]  }
0x28: {  	s2 =	sld [smem:$0x3FAD]  }
0x29: {  	s4 =	sld [smem:$0x3FAF]  }
0x2a: {  	p0 =	seq.s32 s5, $0x0;
	s5 =	sld [smem:$0x3FB0]  }
0x2b: {  	s6 =	sld [smem:$0x3FB1]  }
0x2c: {  	s7 =	sld [smem:$0x3FB2]  }
0x2d: {  	s3 =	simm.s32 $0x108;
	s8 =	sld [smem:$0x3FB3]  }
0x2e: {  	s3 =	simm.s32 @!p0 $0x1082;
	s9 =	sld [smem:$0x3FB4]  }
0x2f: {  	lr =	sadd.s32 s0, s3;
	s0 =	sld [smem:$0x3FAB]  }
0x30: {  	s3 =	sld [smem:$0x3FAE]  }
0x31: {  	[smem:$0x3FB7] =	sst s10  }
0x32: {  	s10 =	sld [smem:$0x3FB5];
	_ =	sdelay $0x3  }
0x33: {  	p0 =	seq.s32 s10, $0x1;
	s10 =	sld [smem:$0x3FB7];
	_ =	sdelay $0x3  }
0x34: {  	[smem:$0x3FB7] =	sst s10  }
0x35: {  	s10 =	sld [smem:$0x3FB6];
	_ =	sdelay $0x3  }
0x36: {  	p1 =	seq.s32 s10, $0x1;
	s10 =	sld [smem:$0x3FB7];
	_ =	sdelay $0x3  }
0x37: {  	[smem:$0x3FB7] =	sst s10  }
0x38: {  	s10 =	sld [smem:$0x3FB8]  }
0x39: {  	_ = 	snop;
	(pc) =	sbr.ind lr, $3  }
0x3a: {  	_ = 	snop  }
0x3b: {  	_ = 	snop  }
0x3c: {  	p2 =	seq.s32 s10, $0x1;
	s10 =	sld [smem:$0x3FB7]  }
0x3d: {  	_ =	shalt  }
0x3e: {  	_ =	shalt  }
0x3f: {  	_ =	shalt  }
0x40: {  	_ =	shalt  }
0x41: {  	_ =	shalt  }
0x42: {  	_ =	shalt  }
0x43: {  	_ =	shalt  }
0x44: {  	_ =	shalt  }
0x45: {  	_ =	shalt  }
0x46: {  	_ =	shalt  }
0x47: {  	_ =	shalt  }
0x48: {  	_ =	shalt  }
0x49: {  	_ =	shalt  }
0x4a: {  	_ =	shalt  }
0x4b: {  	_ =	shalt  }
0x4c: {  	_ =	shalt  }
0x4d: {  	_ =	shalt  }
0x4e: {  	_ =	shalt  }
0x4f: {  	_ =	shalt  }
0x50: {  	_ =	shalt  }
0x51: {  	_ =	shalt  }
0x52: {  	_ =	shalt  }
0x53: {  	_ =	shalt  }
0x54: {  	_ =	shalt  }
0x55: {  	_ =	shalt  }
0x56: {  	_ =	shalt  }
0x57: {  	_ =	shalt  }
0x58: {  	_ =	shalt  }
0x59: {  	_ =	shalt  }
0x5a: {  	_ =	shalt  }
0x5b: {  	_ =	shalt  }
0x5c: {  	_ =	shalt  }
0x5d: {  	_ =	shalt  }
0x5e: {  	_ =	shalt  }
0x5f: {  	_ =	shalt  }
0x60: {  	_ =	shalt  }
0x61: {  	_ =	shalt  }
0x62: {  	_ =	shalt  }
0x63: {  	_ =	shalt  }
0x64: {  	_ =	shalt  }
0x65: {  	_ =	shalt  }
0x66: {  	_ =	shalt  }
0x67: {  	_ =	shalt  }
0x68: {  	_ =	shalt  }
0x69: {  	_ =	shalt  }
0x6a: {  	_ =	shalt  }
0x6b: {  	_ =	shalt  }
0x6c: {  	_ =	shalt  }
0x6d: {  	_ =	shalt  }
0x6e: {  	_ =	shalt  }
0x6f: {  	_ =	shalt  }
0x70: {  	_ =	shalt  }
0x71: {  	_ =	shalt  }
0x72: {  	_ =	shalt  }
0x73: {  	_ =	shalt  }
0x74: {  	_ =	shalt  }
0x75: {  	_ =	shalt  }
0x76: {  	_ =	shalt  }
0x77: {  	_ =	shalt  }
0x78: {  	_ =	shalt  }
0x79: {  	_ =	shalt  }
0x7a: {  	_ =	shalt  }
0x7b: {  	_ =	shalt  }
0x7c: {  	_ =	shalt  }
0x7d: {  	_ =	shalt  }
0x7e: {  	_ =	shalt  }
0x7f: {  	_ =	shalt  }
0x80: {  	_ =	shalt  }
0x81: {  	_ =	shalt  }
0x82: {  	_ =	shalt  }
0x83: {  	_ =	shalt  }
0x84: {  	_ =	shalt  }
0x85: {  	_ =	shalt  }
0x86: {  	_ =	shalt  }
0x87: {  	_ =	shalt  }
.Lfunc_end0:
.L_simem_size_0:
called_computation_lowered:
.L_overlay_start_0:
0x88: {  	s2 =	sld [smem:$0x3FD9]  }
0x89: {  	s3 =	sld [smem:$0x3FFE];
	_ =	sdelay $0x1  }
0x8a: {  	s1 =	srdreg.scid  }
0x8b: {  	s0 =	sand.u32 $0x1, s1  }
0x8c: {  	s17 =	sshll.u32 s0, $0xA;
	s2 =	sadd.s32 s3, s2  }
0x8d: {  	s2 =	sadd.s32 s2, s17  }
0x8e: {  	[smem:$0x3FC3] =	sst s2  }
0x8f: {  	_ = 	snop  }
0x90: {  	s2 =	sld [smem:$0x3FC5];
	(tm) =	ssettm $0x1  }
0x91: {  	s18 =	sld [smem:$0x3FFB];
	_ =	sdelay $0x3  }
0x92: {  	_ =	strace s18  }
0x93: {  	s3 =	sld [smem:$0x3FFC];
	_ =	sdelay $0x3  }
0x94: {  	_ =	strace s3  }
0x95: {  	s3 =	sld [smem:$0x3FFD];
	_ =	sdelay $0x3  }
0x96: {  	_ =	strace s3  }
0x97: {  	_ =	strace $0x8FFFFFFF  }
0x98: {  	s19 =	sld [smem:$0x3FDB];
	_ =	sdelay $0x1  }
0x99: {  	s4 =	simm.s32 $_scs_section_size  }
0x9a: {  	s5 =	simm.s32 $_size__tile_overlayer_lowered;
	s6 =	simm.s32 $_tile_overlayer_lowered  }
0x9b: {  	s22 =	simm.s32 $0x1BFF;
	s21 =	sshll.u32 s6, $0x1;
	s3 =	sadd.s32 s4, s19  }
0x9c: {  	s7 =	simm.s32 $0x0;
	s20 =	sshll.u32 s5, $0x1;
	s5 =	sadd.s32 s21, s3  }
0x9d: {  	[timem:s7], [sflag:s22] =	dma.local [hbm:s5], s20  }
0x9e: {  	_ =	swait.ge [sflag:s22], s20  }
0x9f: {  	s4 =	ssub.s32 $0x0, s20;
	[sflag:s22] =	ssyncset.done $0x0  }
0xa0: {  	[sflag:s22] =	ssyncadd.s32 s4;
	_ =	sdelay $0x1  }
0xa1: {  	s23 =	simm.s32 $0x1B8B  }
0xa2: {  	_ =	swait.ge [sflag:s23], $0x1  }
0xa3: {  	[sflag:s23] =	ssyncset.done $0x0  }
0xa4: {  	s25 =	simm.s32 $0x1B8E;
	s24 =	sld [smem:$0x3FFE];
	[sflag:s23] =	ssyncadd.s32 $0xFFFFFFFF  }
0xa5: {  	s26 =	simm.s32 $execute0_lowered;
	[smem:$0x3FD2] =	sst s25  }
0xa6: {  	s5 =	sshll.u32 s26, $0x1;
	_ =	strace $0x80000046;
	[dreg:$0x1] =	wrdreg $0xFFFFFFFF  }
0xa7: {  	s28 =	simm.s32 $_size_execute0_lowered;
	s3 =	sadd.s32 s3, s5;
	[dreg:$0x0] =	wrdreg $0x0  }
0xa8: {  	s5 =	sshll.u32 s28, $0x1;
	[dreg:$0x2] =	wrdreg s3  }
0xa9: {  	[dreg:$0x3] =	wrdreg s5  }
0xaa: {  	[dreg:$0x4] =	wrdreg $0xC0  }
0xab: {  	_ =	task [dreg:s7], $0x5FFFF  }
0xac: {  	[dreg:$0x1] =	wrdreg $0xFFFFFFFF  }
0xad: {  	[dreg:$0x0] =	wrdreg $0x60  }
0xae: {  	[dreg:$0x2] =	wrdreg s24  }
0xaf: {  	[dreg:$0x3] =	wrdreg s2  }
0xb0: {  	[dreg:$0x4] =	wrdreg $0x9  }
0xb1: {  	_ =	task.clear_ibuf [dreg:s7], $0x5FFFF;
	_ =	strace $0x90000046  }
0xb2: {  	s29 =	simm.s32 $0x9;
	_ =	strace $0x80000048  }
0xb3: {  	_ =	swait.ge [sflag:s29], $0x1  }
0xb4: {  	[sflag:s29] =	ssyncadd.s32 $0xFFFFFFFF  }
0xb5: {  	_ =	strace $0x90000048  }
0xb6: {  	_ =	sfence  }
0xb7: {  	s30 =	sld [smem:$0x0];
	_ =	sdelay $0x2  }
0xb8: {  	s31 =	sshll.u32 s1, $0xD;
	s1 =	sshrl.u32 s1, $0x2  }
0xb9: {  	s3 =	sand.u32 $0x4000, s31;
	s1 =	sadd.s32 s1, s30  }
0xba: {  	s0 =	sor.u32 s3, s0;
	s1 =	sshll.u32 s1, $0x11  }
0xbb: {  	s0 =	sor.u32 s1, s0  }
0xbc: {  	s0 =	sadd.s32 $0x8F2B, s0  }
0xbd: {  	[sflag:s0] =	ssyncadd.remote.s32 $0x1  }
0xbe: {  	_ =	sfence.sel $0xFFFF  }
0xbf: {  	[dreg:$0x0] =	wrdreg $0xFFFFFFFF;
	(pc) =	sbr.abs _section_cstart, $3  }
0xc0: {  	[dreg:$0x1] =	wrdreg $0xFFFFFFFF  }
0xc1: {  	_ =	task.clear_ibuf [dreg:s7], $0x2FFFF;
	_ =	strace $0x9FFFFFFF  }
0xc2: {  	(tm) =	ssettm $0x7FFFFFFF  }
0xc3: {  	_ =	shalt  }
tec
execute0_lowered:
.L_overlay_start_1:
0x0: {  	(tag) =	ssettag $0x1  }
0x1: {  	s1 =	srdreg.scid  }
0x2: {  	s8 =	rddreg [dreg:$0x0];
	s0 =	stileid.u32  }
0x3: {  	s3 =	rddreg [dreg:$0x1];
	s2 =	simm.s32 $0x0;
	s6 =	sand.u32 $0x1, s1  }
0x4: {  	s4 =	sshll.u32 s0, $0x6;
	s1 =	rddreg [dreg:$0x2];
	s5 =	sshll.u32 s6, $0x5  }
0x5: {  	s7 =	simm.s32 $0x1;
	[smem:$0x7FF] =	sst s2;
	s9 =	sor.u32 s5, s4  }
0x6: {  	_ =	strace $0x80000047;
	s10 =	ssub.s32 $0x2, s6;
	s4 =	sshrl.u32 s9, $0x3  }
0x7: {  	s6 =	simm.s32 $0x20;
	s4 =	sadd.s32 s3, s4;
	s3 =	simm.s32 $0x2  }
0x8: {  	[tilespmem:s2], [sflag:$0x2] =	stream.linear.gather [hbm4b:s4+s2], $0x20, $0x38;
	[tilespmem:$0x420] =	vst v63  }
0x9: {  	s5 =	sadd.s32 $0x187A00, s8;
	s11 =	sshrl.u32 s10, $0x1;
	_ =	swait.ge [sflag:s3], $0x20  }
0xa: {  	s9 =	sshll.u32 s9, $0x2;
	s31 =	ssub.s32 s10, s11;
	[sflag:s3] =	ssyncset.done $0x0  }
0xb: {  	s8 =	sadd.s32 s9, s8;
	s9 =	smax.u32 s31, $0x1;
	[sflag:s3] =	ssyncadd.s32 $0xFFFFFFE0  }
0xc: {  	[tilespmem:s6], [sflag:$0x1] =	stream.indirect.gather [hbm4b:s5+s6], $0x20, s2, s6, $0xb8;
	[tilespmem:$0x420] =	vst v63  }
0xd: {  	p0 =	sne.s32 s9, $0x1;
	_ =	swait.ge [sflag:s7], $0x400  }
.Ltmp0:
0xe: {  	[sflag:s7] =	ssyncset.done $0x0;
	(pc) =	sbr.rel @!p0 .LBB2_2-.Ltmp0, $4  }
0xf: {  	s8 =	sadd.s32 $0x1000, s8;
	[sflag:s7] =	ssyncadd.s32 $0xFFFFFC00  }
0x10: {  	[hbm4b:s8+s2] =	stream.linear.scatter [tilespmem:s6], [sflag:$0x2], $0x400, $0x38;
	[tilespmem:$0x420] =	vst v63  }
0x11: {  	_ =	swait.ge [sflag:s3], $0x400  }
0x12: {  	s9 =	sadd.s32 $0xFFFFFFFF, s9;
	[sflag:s3] =	ssyncset.done $0x0  }
.LBB2_1:
0x13: {  	p0 =	sne.s32 s9, $0x1;
	s9 =	sadd.s32 $0xFFFFFFFF, s9;
	[sflag:s3] =	ssyncadd.s32 $0xFFFFFC00  }
0x14: {  	[tilespmem:s2], [sflag:$0x2] =	stream.linear.gather [hbm4b:s4+s2], $0x20, $0x38;
	[tilespmem:$0x420] =	vst v63  }
0x15: {  	_ =	swait.ge [sflag:s3], $0x20  }
0x16: {  	[sflag:s3] =	ssyncset.done $0x0  }
0x17: {  	[sflag:s3] =	ssyncadd.s32 $0xFFFFFFE0  }
0x18: {  	[tilespmem:s6], [sflag:$0x1] =	stream.indirect.gather [hbm4b:s5+s6], $0x20, s2, s6, $0xb8;
	[tilespmem:$0x420] =	vst v63  }
0x19: {  	_ =	swait.ge [sflag:s7], $0x400  }
.Ltmp1:
0x1a: {  	[sflag:s7] =	ssyncset.done $0x0;
	(pc) =	sbr.rel @p0 .LBB2_1-.Ltmp1, $4  }
0x1b: {  	[sflag:s7] =	ssyncadd.s32 $0xFFFFFC00  }
0x1c: {  	[hbm4b:s8+s2] =	stream.linear.scatter [tilespmem:s6], [sflag:$0x2], $0x400, $0x38;
	[tilespmem:$0x420] =	vst v63  }
0x1d: {  	_ =	swait.ge [sflag:s3], $0x400  }
0x1e: {  	[sflag:s3] =	ssyncset.done $0x0  }
.LBB2_2:
0x1f: {  	[sflag:s3] =	ssyncadd.s32 $0xFFFFFC00  }
0x20: {  	_ =	sfence.sel $0x180000  }
0x21: {  	[bflag:$0x0] =	sbarrier.arrive $0xFFFF  }
0x22: {  	p0 =	sne.s32 s0, $0x0;
	_ =	strace $0x90000047  }
0x23: {  	s0 =	sadd.s32 @!p0 $0x100000, s1;
	[bflag:$0x2] =	sbarrier.arrive $0xFFFF  }
0x24: {  	[sflag:s0] =	ssyncadd.tile.s32 @!p0 $0x1;
	_ =	shalt  }
.Lfunc_end2:
_tile_overlayer_lowered:
.L_overlay_start_2:
0x25: {  	(tag) =	ssettag $0x2  }
0x26: {  	s0 =	rddreg [dreg:$0x0];
	s2 =	stileid.u32  }
0x27: {  	s1 =	rddreg [dreg:$0x1];
	p0 =	sne.s32 s2, $0x0  }
0x28: {  	s3 =	rddreg [dreg:$0x2];
	[bflag:$0x3] =	sbarrier.arrive $0xFFFF;
	s2 =	simm.s32 @!p0 $0x1C02  }
0x29: {  	[timem:s3], [sflag:s2] =	dma.local @!p0 [hbm:s0], s1  }
0x2a: {  	s0 =	simm.s32 @!p0 $0x2  }
0x2b: {  	_ =	swait.ge @!p0 [sflag:s0], s1  }
0x2c: {  	s1 =	ssub.s32 @!p0 $0x0, s1;
	[sflag:s0] =	ssyncset.done @!p0 $0x0  }
0x2d: {  	[sflag:s0] =	ssyncadd.s32 @!p0 s1  }
0x2e: {  	[bflag:$0x3] =	sbarrier.arrive $0xFFFF  }
0x2f: {  	_ =	shalt  }

</sc_bundles>
